<compile_context>
chip_gen: v7x
topology: tpu7x:2x2x1
jax: 0.10.2.dev20260603
libtpu: 0.0.44.dev20260713+nightly
codegen_flags: <defaults>
</compile_context>

<pallas_src>
import functools

import jax
import jax.numpy as jnp
from jax import lax
from jax.experimental import pallas as pl
from jax.experimental.pallas import tpu as pltpu
from jax.experimental.pallas import tpu_sc as plsc

_R, _C, _KF = 450, 480, 10
_NFLOW = 8
_NFEAT = 8
_NOUT = 32
_NB = 2
_P = _R * _C
_NCH = _NB * _NFEAT
_ROWS_PER_BLK = 10
_PT = 600
_GK = 3000


def _idx_weight_kernel(mf_ref, idx_ref, w_ref):
    pid = pl.program_id(0)
    kk = lax.broadcasted_iota(jnp.int32, (_KF * _KF, _C), 0)
    k1 = (kk // _KF).astype(jnp.float32)
    k2 = (kk % _KF).astype(jnp.float32)
    cc = lax.broadcasted_iota(jnp.int32, (_KF * _KF, _C), 1).astype(jnp.float32)
    jjn = cc / _C
    cvec = lax.broadcasted_iota(jnp.int32, (_NFLOW, _C), 1).astype(jnp.float32)
    for j in range(_ROWS_PER_BLK):
        row = pid * _ROWS_PER_BLK + j
        rowf = row.astype(jnp.float32)
        iin = rowf / _R
        phase = 2.0 * jnp.pi * (k1 * iin + k2 * jjn)
        basis = jnp.cos(phase)
        fr = lax.dot_general(mf_ref[0], basis, (((1,), (0,)), ((), ())),
                             preferred_element_type=jnp.float32)
        fc = lax.dot_general(mf_ref[1], basis, (((1,), (0,)), ((), ())),
                             preferred_element_type=jnp.float32)
        rm = rowf + (-fr)
        cm = cvec + (-fc)
        b0r = jnp.round(rm)
        b0c = jnp.round(cm)
        s = rm - jnp.floor(rm)
        t = cm - jnp.floor(cm)
        x0 = jnp.clip(b0r, 0, _R - 1).astype(jnp.int32)
        x1 = jnp.clip(b0r + 1.0, 0, _R - 1).astype(jnp.int32)
        y0 = jnp.clip(b0c, 0, _C - 1).astype(jnp.int32)
        y1 = jnp.clip(b0c + 1.0, 0, _C - 1).astype(jnp.int32)
        idx = jnp.concatenate(
            [x0 * _C + y0, x1 * _C + y0, x0 * _C + y1, x1 * _C + y1], axis=1)
        w = jnp.concatenate(
            [s * t, s * (1.0 - t), (1.0 - s) * t, (1.0 - s) * (1.0 - t)],
            axis=1)
        idx_ref[j] = idx
        w_ref[j] = w


def _compute_idx_weights(mf_t):
    grid = _R // _ROWS_PER_BLK
    return pl.pallas_call(
        _idx_weight_kernel,
        grid=(grid,),
        in_specs=[pl.BlockSpec((2, _NFLOW, _KF * _KF), lambda i: (0, 0, 0))],
        out_specs=[
            pl.BlockSpec((_ROWS_PER_BLK, _NFLOW, 4 * _C), lambda i: (i, 0, 0)),
            pl.BlockSpec((_ROWS_PER_BLK, _NFLOW, 4 * _C), lambda i: (i, 0, 0)),
        ],
        out_shape=[
            jax.ShapeDtypeStruct((_R, _NFLOW, 4 * _C), jnp.int32),
            jax.ShapeDtypeStruct((_R, _NFLOW, 4 * _C), jnp.float32),
        ],
    )(mf_t)


def _sc_gather(table, idx_flat):
    ntot = idx_flat.shape[0]
    info = plsc.get_sparse_core_info()
    nw = info.num_cores * info.num_subcores
    per_w = ntot // nw
    iters = per_w // _GK
    mesh = plsc.VectorSubcoreMesh(core_axis_name="c", subcore_axis_name="s")

    @functools.partial(
        pl.kernel,
        mesh=mesh,
        compiler_params=pltpu.CompilerParams(use_tc_tiling_on_sc=False),
        out_type=jax.ShapeDtypeStruct((ntot, _NCH), jnp.float32),
        scratch_types=[
            pltpu.VMEM((_GK,), jnp.int32),
            pltpu.VMEM((_GK, _NCH), jnp.float32),
            pltpu.SemaphoreType.DMA,
        ],
    )
    def gather_k(table_hbm, idx_hbm, out_hbm, idx_v, rows_v, sem):
        wid = lax.axis_index("s") * info.num_cores + lax.axis_index("c")
        base = wid * per_w

        def body(i, carry):
            off = pl.multiple_of(base + i * _GK, 8)
            pltpu.sync_copy(idx_hbm.at[pl.ds(off, _GK)], idx_v)
            pltpu.async_copy(table_hbm.at[idx_v], rows_v, sem).wait()
            pltpu.sync_copy(rows_v, out_hbm.at[pl.ds(off, _GK)])
            return carry

        lax.fori_loop(0, iters, body, 0)

    return gather_k(table, idx_flat)


_KDIM = _NFLOW * 4 * _NCH


def _combine_kernel(g_ref, w_ref, m_ref, out_ref):
    a = g_ref[0]
    wt = w_ref[0]
    ri = lax.broadcasted_iota(jnp.int32, (_NFLOW * 4, _KDIM), 0)
    ci = lax.broadcasted_iota(jnp.int32, (_NFLOW * 4, _KDIM), 1)
    rep = (ci // _NCH == ri).astype(jnp.float32)
    w_rep = lax.dot_general(wt, rep, (((1,), (0,)), ((), ())),
                            preferred_element_type=jnp.float32)
    out_ref[0] = lax.dot_general(m_ref[...], a * w_rep,
                                 (((0,), (1,)), ((), ())),
                                 preferred_element_type=jnp.float32)


def _combine(g, w, m):
    grid = _P // _PT
    return pl.pallas_call(
        _combine_kernel,
        grid=(grid,),
        in_specs=[
            pl.BlockSpec((1, _PT, _KDIM), lambda i: (i, 0, 0)),
            pl.BlockSpec((1, _PT, _NFLOW * 4), lambda i: (i, 0, 0)),
            pl.BlockSpec((_KDIM, _NB * _NOUT), lambda i: (0, 0)),
        ],
        out_specs=pl.BlockSpec((1, _NB * _NOUT, _PT), lambda i: (i, 0, 0)),
        out_shape=jax.ShapeDtypeStruct((_P // _PT, _NB * _NOUT, _PT),
                                       jnp.float32),
    )(g, w, m)


def kernel(x, main_flow, combinator):
    xt = jnp.transpose(x, (2, 3, 0, 1)).reshape(_P, _NCH)
    mf_t = jnp.transpose(main_flow, (2, 0, 1))
    idx_a, w_a = _compute_idx_weights(mf_t)
    nt = _P // _PT

    def _reorder(a):
        a = a.reshape(_R, _NFLOW, 4, _C).transpose(0, 3, 1, 2)
        return a.reshape(nt, _PT, _NFLOW * 4)

    idx3 = _reorder(idx_a)
    w3 = _reorder(w_a)
    combr = combinator.reshape(_NOUT, _NFLOW, _NFEAT)
    m = (combr.transpose(1, 2, 0)[:, None, None, :, None, :]
         * jnp.eye(_NB, dtype=jnp.float32)[None, None, :, None, :, None])
    m = jnp.broadcast_to(m, (_NFLOW, 4, _NB, _NFEAT, _NB, _NOUT))
    m = m.reshape(_KDIM, _NB * _NOUT)
    g = _sc_gather(xt, idx3.reshape(-1))
    out = _combine(g.reshape(nt, _PT, _KDIM), w3, m)
    out = jnp.transpose(out, (1, 0, 2))
    return out.reshape(_NB, _NOUT, _R, _C)

# --- scband reference (transcript-rebuilt; emitter-appended) ---
"""Pipeline reference for scband-flow-197568495730 (READ-ONLY COPY).

The authoritative reference and input builder live on the scoring server;
editing this copy changes nothing except your own understanding.
"""

import jax, jax.numpy as jnp
import numpy as np

R, C, KF = 450, 480, 10
INPUT_FEATURES = 8
NUM_FLOWS = 8
OUTPUT_FEATURES = 32
BATCH = 2


def _torus_basis():
    # TorusFFTransformer(450, 480, 10, 10): 10x10 Fourier features on the torus,
    # smooth_function maps 100 coefficients -> smooth (450, 480) field per channel.
    ii = jnp.arange(R, dtype=jnp.float32)[:, None] / R
    jj = jnp.arange(C, dtype=jnp.float32)[None, :] / C
    k1 = jnp.arange(KF, dtype=jnp.float32)
    k2 = jnp.arange(KF, dtype=jnp.float32)
    phase = 2.0 * jnp.pi * (
        k1[:, None, None, None] * ii[None, None, :, :]
        + k2[None, :, None, None] * jj[None, None, :, :]
    )
    return jnp.cos(phase).reshape(KF * KF, R, C)


def smooth_function(coeffs):
    # coeffs: (num_flows, 100, 2) -> (num_flows, 450, 480, 2)
    basis = _torus_basis()
    return jnp.einsum('krc,nkd->nrcd', basis, coeffs)


def perform_flow(features, flow, steps=1, delta=1.0):
    inverse = -flow * delta / steps
    r = features.shape[2]
    c = features.shape[3]
    rows = jnp.broadcast_to(jnp.arange(r, dtype=jnp.float32)[:, None], (r, c))
    cols = jnp.broadcast_to(jnp.arange(c, dtype=jnp.float32)[None, :], (r, c))
    index_map = jnp.stack([rows, cols], axis=-1) + inverse
    base_00 = jnp.round(index_map)
    base_01 = base_00 + jnp.array([1.0, 0.0], dtype=jnp.float32)
    base_10 = base_00 + jnp.array([0.0, 1.0], dtype=jnp.float32)
    base_11 = base_00 + jnp.array([1.0, 1.0], dtype=jnp.float32)
    st = index_map - jnp.floor(index_map)
    s = st[..., 0]
    t = st[..., 1]

    def factor(tensor, mul, curr):
        clipped_x = jnp.clip(tensor[..., 0], 0, r - 1).astype(jnp.int32)
        clipped_y = jnp.clip(tensor[..., 1], 0, c - 1).astype(jnp.int32)
        return curr[..., clipped_x, clipped_y] * mul

    def step(curr):
        return (factor(base_00, s * t, curr)
                + factor(base_01, s * (1 - t), curr)
                + factor(base_10, (1 - s) * t, curr)
                + factor(base_11, (1 - s) * (1 - t), curr))

    for _ in range(steps):
        features = step(features)
    return features


def setup_inputs(seed: int = 0) -> dict:
    key = jax.random.key(seed)
    k1, k2, k3 = jax.random.split(key, 3)
    x = jax.random.normal(k1, (BATCH, INPUT_FEATURES, R, C), dtype=jnp.float32)
    main_flow = jax.random.normal(k2, (NUM_FLOWS, 100, 2), dtype=jnp.float32) * 0.02
    combinator = jax.random.normal(k3, (OUTPUT_FEATURES, INPUT_FEATURES * NUM_FLOWS), dtype=jnp.float32) * 0.02
    return {"x": x, "main_flow": main_flow, "combinator": combinator}


def reference(x, main_flow, combinator):
    flow = smooth_function(main_flow)
    warped = [perform_flow(x, flow[i]) for i in range(NUM_FLOWS)]
    ret = jnp.stack(warped, axis=0)  # (N, B, F, R, C)
    ret = jnp.swapaxes(ret, 0, 1).reshape(x.shape[0], INPUT_FEATURES * NUM_FLOWS, R, C)
    ret = jnp.transpose(ret, (0, 2, 3, 1)).reshape(x.shape[0], R, C, INPUT_FEATURES * NUM_FLOWS, 1)
    ret = combinator @ ret  # (B, R, C, O, 1)
    return jnp.transpose(ret[..., 0], (0, 3, 1, 2))

if __name__ == "__main__":
    import jax
    _d = setup_inputs()
    print(jax.jit(kernel)(*tuple(_d.values())))

</pallas_src>

<mosaic_0001>
#map = affine_map<(d0, d1) -> (0, 0)>
#map1 = affine_map<(d0, d1) -> (0)>
module attributes {stable_mosaic.version = 14 : i64} {
  func.func @gather_k(%arg0: i32, %arg1: i32, %arg2: memref<216000x16xf32, #tpu.memory_space<hbm>>, %arg3: memref<6912000xi32, #tpu.memory_space<hbm>>, %arg4: memref<6912000x16xf32, #tpu.memory_space<hbm>>, %arg5: memref<3000xi32, #tpu.memory_space<vmem>>, %arg6: memref<3000x16xf32, #tpu.memory_space<vmem>>, %arg7: memref<!tpu.dma_semaphore, #tpu.memory_space<semaphore_mem>>) attributes {dimension_semantics = [#tpu.dimension_semantics<core_parallel>, #tpu.dimension_semantics<subcore_parallel>], iteration_bounds = array<i64: 2, 16>, scalar_prefetch = 0 : i64, scratch_operands = 3 : i64, tpu.core_type = #tpu.core_type<sc_vector_subcore>, window_params = [{transform_indices = #map}, {transform_indices = #map1}, {transform_indices = #map}]} {
    %mul3A = arith.constant 2 : i32
    %mul3A_0 = arith.muli %arg1, %mul3A : i32
    %add3A = arith.addi %mul3A_0, %arg0 : i32
    %mul3A_1 = arith.constant 216000 : i32
    %mul3A_2 = arith.muli %add3A, %mul3A_1 : i32
    %scan3A = arith.constant 0 : i32
    %scan3A_3 = arith.constant 0 : i32
    %scan3A_4 = arith.constant 72 : i32
    %scan3A_5 = arith.addi %scan3A_3, %scan3A_4 : i32
    %scan3A_6 = arith.constant 1 : i32
    scf.for %scan3A_8 = %scan3A_3 to %scan3A_5 step %scan3A_6  : i32 {
      %mul3A_9 = arith.constant 3000 : i32
      %mul3A_10 = arith.muli %scan3A_8, %mul3A_9 : i32
      %add3A_11 = arith.addi %mul3A_2, %mul3A_10 : i32
      %multiple_of3A = tpu.assume_multiple %add3A_11, 8 : i32
      "tpu.region"() ({
        %run_scoped3A = tpu.sem_alloc : memref<!tpu.dma_semaphore, #tpu.memory_space<semaphore_mem>>
        %dma_start3A_16 = tpu.memref_slice %arg3[%multiple_of3A] : memref<6912000xi32, #tpu.memory_space<hbm>> -> memref<3000xi32, #tpu.memory_space<hbm>>
        %dma_start3A_17 = tpu.memref_slice %arg3[%multiple_of3A] : memref<6912000xi32, #tpu.memory_space<hbm>> -> memref<3000xi32, #tpu.memory_space<hbm>>
        tpu.enqueue_dma source(%dma_start3A_17 : memref<3000xi32, #tpu.memory_space<hbm>>) target(%arg5 : memref<3000xi32, #tpu.memory_space<vmem>>) target_semaphore(%run_scoped3A : memref<!tpu.dma_semaphore, #tpu.memory_space<semaphore_mem>>)
        %dma_wait3A_18 = tpu.memref_slice %arg3[%multiple_of3A] : memref<6912000xi32, #tpu.memory_space<hbm>> -> memref<3000xi32, #tpu.memory_space<hbm>>
        %dma_wait3A_19 = tpu.memref_slice %arg3[%multiple_of3A] : memref<6912000xi32, #tpu.memory_space<hbm>> -> memref<3000xi32, #tpu.memory_space<hbm>>
        tpu.wait_dma2 semaphore(%run_scoped3A : memref<!tpu.dma_semaphore, #tpu.memory_space<semaphore_mem>>) src(%dma_wait3A_19 : memref<3000xi32, #tpu.memory_space<hbm>>) dst(%arg5 : memref<3000xi32, #tpu.memory_space<vmem>>)
        tpu.yield
      }) : () -> ()
      %dma_start3A = arith.constant 0 : i32
      %dma_start3A_12 = arith.constant 0 : i32
      %dma_start3A_13 = tpu.memref_slice %arg2[%dma_start3A, %dma_start3A_12] : memref<216000x16xf32, #tpu.memory_space<hbm>> -> memref<216000x16xf32, #tpu.memory_space<hbm>>
      tpu.enqueue_indirect_dma source(%dma_start3A_13 : memref<216000x16xf32, #tpu.memory_space<hbm>>) target(%arg6 : memref<3000x16xf32, #tpu.memory_space<vmem>>) offsets(%arg5 : memref<3000xi32, #tpu.memory_space<vmem>>) semaphore(%arg7 : memref<!tpu.dma_semaphore, #tpu.memory_space<semaphore_mem>>)
      %dma_wait3A = arith.constant 0 : i32
      %dma_wait3A_14 = arith.constant 0 : i32
      %dma_wait3A_15 = tpu.memref_slice %arg2[%dma_wait3A, %dma_wait3A_14] : memref<216000x16xf32, #tpu.memory_space<hbm>> -> memref<216000x16xf32, #tpu.memory_space<hbm>>
      tpu.wait_indirect_dma semaphore(%arg7 : memref<!tpu.dma_semaphore, #tpu.memory_space<semaphore_mem>>) src(%dma_wait3A_15 : memref<216000x16xf32, #tpu.memory_space<hbm>>) dst(%arg6 : memref<3000x16xf32, #tpu.memory_space<vmem>>)
      "tpu.region"() ({
        %run_scoped3A = tpu.sem_alloc : memref<!tpu.dma_semaphore, #tpu.memory_space<semaphore_mem>>
        %dma_start3A_16 = arith.constant 0 : i32
        %dma_start3A_17 = tpu.memref_slice %arg4[%multiple_of3A, %dma_start3A_16] : memref<6912000x16xf32, #tpu.memory_space<hbm>> -> memref<3000x16xf32, #tpu.memory_space<hbm>>
        %dma_start3A_18 = arith.constant 0 : i32
        %dma_start3A_19 = tpu.memref_slice %arg4[%multiple_of3A, %dma_start3A_18] : memref<6912000x16xf32, #tpu.memory_space<hbm>> -> memref<3000x16xf32, #tpu.memory_space<hbm>>
        tpu.enqueue_dma source(%arg6 : memref<3000x16xf32, #tpu.memory_space<vmem>>) target(%dma_start3A_19 : memref<3000x16xf32, #tpu.memory_space<hbm>>) target_semaphore(%run_scoped3A : memref<!tpu.dma_semaphore, #tpu.memory_space<semaphore_mem>>)
        %dma_wait3A_20 = arith.constant 0 : i32
        %dma_wait3A_21 = tpu.memref_slice %arg4[%multiple_of3A, %dma_wait3A_20] : memref<6912000x16xf32, #tpu.memory_space<hbm>> -> memref<3000x16xf32, #tpu.memory_space<hbm>>
        %dma_wait3A_22 = arith.constant 0 : i32
        %dma_wait3A_23 = tpu.memref_slice %arg4[%multiple_of3A, %dma_wait3A_22] : memref<6912000x16xf32, #tpu.memory_space<hbm>> -> memref<3000x16xf32, #tpu.memory_space<hbm>>
        tpu.wait_dma2 semaphore(%run_scoped3A : memref<!tpu.dma_semaphore, #tpu.memory_space<semaphore_mem>>) src(%arg6 : memref<3000x16xf32, #tpu.memory_space<vmem>>) dst(%dma_wait3A_23 : memref<3000x16xf32, #tpu.memory_space<hbm>>)
        tpu.yield
      }) : () -> ()
    }
    %scan3A_7 = arith.constant 72 : i32
    return
  }
}

module attributes {stable_mosaic.version = 14 : i64} {
  func.func @_idx_weight_kernel(%arg0: i32, %arg1: memref<2x8x100xf32, #tpu.memory_space<vmem>>, %arg2: memref<10x8x1920xi32, #tpu.memory_space<vmem>>, %arg3: memref<10x8x1920xf32, #tpu.memory_space<vmem>>) attributes {dimension_semantics = [#tpu.dimension_semantics<arbitrary>], iteration_bounds = array<i64: 45>, scalar_prefetch = 0 : i64, scratch_operands = 0 : i64, tpu.core_type = #tpu.core_type<tc>, window_params = [{pipeline_mode = #tpu.pipeline_mode<synchronous>, transform_indices = @transform_0, window_bounds = array<i64: 2, 8, 100>}, {transform_indices = @transform_1, window_bounds = array<i64: 10, 8, 1920>}, {transform_indices = @transform_2, window_bounds = array<i64: 10, 8, 1920>}]} {
    %iota3A = tpu.iota {dimensions = array<i32: 0>} : vector<100x480xi32>
    %jit3A = arith.constant 10 : i32
    %div3A = vector.broadcast %jit3A : i32 to vector<100x480xi32>
    %div3A_0 = arith.divsi %iota3A, %div3A : vector<100x480xi32>
    %sign3A = arith.constant 0 : i32
    %sign3A_1 = vector.broadcast %sign3A : i32 to vector<100x480xi32>
    %sign3A_2 = arith.cmpi sgt, %iota3A, %sign3A_1 : vector<100x480xi32>
    %sign3A_3 = arith.extui %sign3A_2 : vector<100x480xi1> to vector<100x480xi32>
    %sign3A_4 = arith.constant 0 : i32
    %sign3A_5 = vector.broadcast %sign3A_4 : i32 to vector<100x480xi32>
    %sign3A_6 = arith.cmpi slt, %iota3A, %sign3A_5 : vector<100x480xi32>
    %sign3A_7 = arith.extui %sign3A_6 : vector<100x480xi1> to vector<100x480xi32>
    %sign3A_8 = arith.subi %sign3A_3, %sign3A_7 : vector<100x480xi32>
    %sign3A_9 = arith.constant 0 : i32
    %sign3A_10 = arith.cmpi sgt, %jit3A, %sign3A_9 : i32
    %sign3A_11 = arith.extui %sign3A_10 : i1 to i32
    %sign3A_12 = arith.constant 0 : i32
    %sign3A_13 = arith.cmpi slt, %jit3A, %sign3A_12 : i32
    %sign3A_14 = arith.extui %sign3A_13 : i1 to i32
    %sign3A_15 = arith.subi %sign3A_11, %sign3A_14 : i32
    %ne3A = vector.broadcast %sign3A_15 : i32 to vector<100x480xi32>
    %ne3A_16 = arith.cmpi ne, %sign3A_8, %ne3A : vector<100x480xi32>
    %rem3A = vector.broadcast %jit3A : i32 to vector<100x480xi32>
    %rem3A_17 = arith.remsi %iota3A, %rem3A : vector<100x480xi32>
    %ne3A_18 = arith.constant 0 : i32
    %ne3A_19 = vector.broadcast %ne3A_18 : i32 to vector<100x480xi32>
    %ne3A_20 = arith.cmpi ne, %rem3A_17, %ne3A_19 : vector<100x480xi32>
    %and3A = arith.andi %ne3A_16, %ne3A_20 : vector<100x480xi1>
    %sub3A = arith.constant 1 : i32
    %sub3A_21 = vector.broadcast %sub3A : i32 to vector<100x480xi32>
    %sub3A_22 = arith.subi %div3A_0, %sub3A_21 : vector<100x480xi32>
    %select_n3A = arith.select %and3A, %sub3A_22, %div3A_0 : vector<100x480xi1>, vector<100x480xi32>
    %convert_element_type3A = arith.sitofp %select_n3A : vector<100x480xi32> to vector<100x480xf32>
    %jit3A_23 = arith.constant 10 : i32
    %eq3A = arith.constant 0 : i32
    %eq3A_24 = arith.cmpi eq, %jit3A_23, %eq3A : i32
    %jit3A_25 = arith.constant 1 : i32
    %select_n3A_26 = arith.select %eq3A_24, %jit3A_25, %jit3A_23 : i32
    %rem3A_27 = vector.broadcast %select_n3A_26 : i32 to vector<100x480xi32>
    %rem3A_28 = arith.remsi %iota3A, %rem3A_27 : vector<100x480xi32>
    %ne3A_29 = arith.constant 0 : i32
    %ne3A_30 = vector.broadcast %ne3A_29 : i32 to vector<100x480xi32>
    %ne3A_31 = arith.cmpi ne, %rem3A_28, %ne3A_30 : vector<100x480xi32>
    %lt3A = arith.constant 0 : i32
    %lt3A_32 = vector.broadcast %lt3A : i32 to vector<100x480xi32>
    %lt3A_33 = arith.cmpi slt, %rem3A_28, %lt3A_32 : vector<100x480xi32>
    %lt3A_34 = arith.constant 0 : i32
    %lt3A_35 = arith.cmpi slt, %select_n3A_26, %lt3A_34 : i32
    %ne3A_36 = vector.broadcast %lt3A_35 : i1 to vector<100x480xi1>
    %ne3A_37 = vector.broadcast %ne3A_36 : vector<100x480xi1> to vector<100x480xi1>
    %ne3A_38 = arith.xori %lt3A_33, %ne3A_37 : vector<100x480xi1>
    %and3A_39 = arith.andi %ne3A_38, %ne3A_31 : vector<100x480xi1>
    %add3A = vector.broadcast %select_n3A_26 : i32 to vector<100x480xi32>
    %add3A_40 = arith.addi %rem3A_28, %add3A : vector<100x480xi32>
    %select_n3A_41 = arith.select %and3A_39, %add3A_40, %rem3A_28 : vector<100x480xi1>, vector<100x480xi32>
    %convert_element_type3A_42 = arith.sitofp %select_n3A_41 : vector<100x480xi32> to vector<100x480xf32>
    %iota3A_43 = tpu.iota {dimensions = array<i32: 1>} : vector<100x480xi32>
    %convert_element_type3A_44 = arith.sitofp %iota3A_43 : vector<100x480xi32> to vector<100x480xf32>
    %div3A_45 = arith.constant 4.800000e+02 : f32
    %div3A_46 = vector.broadcast %div3A_45 : f32 to vector<100x480xf32>
    %div3A_47 = arith.divf %convert_element_type3A_44, %div3A_46 : vector<100x480xf32>
    %iota3A_48 = tpu.iota {dimensions = array<i32: 1>} : vector<8x480xi32>
    %convert_element_type3A_49 = arith.sitofp %iota3A_48 : vector<8x480xi32> to vector<8x480xf32>
    %mul3A = arith.constant 10 : i32
    %mul3A_50 = arith.muli %arg0, %mul3A : i32
    %add3A_51 = arith.constant 0 : i32
    %add3A_52 = arith.addi %mul3A_50, %add3A_51 : i32
    %convert_element_type3A_53 = arith.sitofp %add3A_52 : i32 to f32
    %div3A_54 = arith.constant 4.500000e+02 : f32
    %div3A_55 = arith.divf %convert_element_type3A_53, %div3A_54 : f32
    %mul3A_56 = vector.broadcast %div3A_55 : f32 to vector<100x480xf32>
    %mul3A_57 = arith.mulf %convert_element_type3A, %mul3A_56 : vector<100x480xf32>
    %mul3A_58 = arith.mulf %convert_element_type3A_42, %div3A_47 : vector<100x480xf32>
    %add3A_59 = arith.addf %mul3A_57, %mul3A_58 : vector<100x480xf32>
    %mul3A_60 = arith.constant 6.28318548 : f32
    %mul3A_61 = vector.broadcast %mul3A_60 : f32 to vector<100x480xf32>
    %mul3A_62 = arith.mulf %mul3A_61, %add3A_59 : vector<100x480xf32>
    %cos3A = math.cos %mul3A_62 : vector<100x480xf32>
    %get3A = arith.constant 0 : index
    %get3A_63 = arith.constant 0 : index
    %get3A_64 = arith.constant 0 : index
    %get3A_65 = vector.load %arg1[%get3A, %get3A_63, %get3A_64] : memref<2x8x100xf32, #tpu.memory_space<vmem>>, vector<1x8x100xf32>
    %get3A_66 = vector.shape_cast %get3A_65 : vector<1x8x100xf32> to vector<8x100xf32>
    %dot_general3A = arith.constant dense<0.000000e+00> : vector<8x480xf32>
    %dot_general3A_67 = tpu.matmul %get3A_66, %cos3A, %dot_general3A {dimension_numbers = #tpu.dot_dimension_numbers<[1], [0], [0], [1], [0, 0, 1, 1], [], []>, transpose_lhs_hint = false} : vector<8x100xf32>, vector<100x480xf32>, vector<8x480xf32> -> vector<8x480xf32>
    %get3A_68 = arith.constant 1 : index
    %get3A_69 = arith.constant 0 : index
    %get3A_70 = arith.constant 0 : index
    %get3A_71 = vector.load %arg1[%get3A_68, %get3A_69, %get3A_70] : memref<2x8x100xf32, #tpu.memory_space<vmem>>, vector<1x8x100xf32>
    %get3A_72 = vector.shape_cast %get3A_71 : vector<1x8x100xf32> to vector<8x100xf32>
    %dot_general3A_73 = arith.constant dense<0.000000e+00> : vector<8x480xf32>
    %dot_general3A_74 = tpu.matmul %get3A_72, %cos3A, %dot_general3A_73 {dimension_numbers = #tpu.dot_dimension_numbers<[1], [0], [0], [1], [0, 0, 1, 1], [], []>, transpose_lhs_hint = false} : vector<8x100xf32>, vector<100x480xf32>, vector<8x480xf32> -> vector<8x480xf32>
    %neg3A = arith.constant 0.000000e+00 : f32
    %neg3A_75 = vector.broadcast %neg3A : f32 to vector<8x480xf32>
    %neg3A_76 = arith.subf %neg3A_75, %dot_general3A_67 : vector<8x480xf32>
    %add3A_77 = vector.broadcast %convert_element_type3A_53 : f32 to vector<8x480xf32>
    %add3A_78 = arith.addf %add3A_77, %neg3A_76 : vector<8x480xf32>
    %neg3A_79 = arith.constant 0.000000e+00 : f32
    %neg3A_80 = vector.broadcast %neg3A_79 : f32 to vector<8x480xf32>
    %neg3A_81 = arith.subf %neg3A_80, %dot_general3A_74 : vector<8x480xf32>
    %add3A_82 = arith.addf %convert_element_type3A_49, %neg3A_81 : vector<8x480xf32>
    %round3A = math.roundeven %add3A_78 : vector<8x480xf32>
    %round3A_83 = math.roundeven %add3A_82 : vector<8x480xf32>
    %floor3A = math.floor %add3A_78 : vector<8x480xf32>
    %sub3A_84 = arith.subf %add3A_78, %floor3A : vector<8x480xf32>
    %floor3A_85 = math.floor %add3A_82 : vector<8x480xf32>
    %sub3A_86 = arith.subf %add3A_82, %floor3A_85 : vector<8x480xf32>
    %jit3A_87 = arith.constant 0 : i32
    %jit3A_88 = arith.constant 449 : i32
    %convert_element_type3A_89 = arith.sitofp %jit3A_87 : i32 to f32
    %max3A = vector.broadcast %convert_element_type3A_89 : f32 to vector<8x480xf32>
    %max3A_90 = arith.maximumf %max3A, %round3A : vector<8x480xf32>
    %convert_element_type3A_91 = arith.sitofp %jit3A_88 : i32 to f32
    %min3A = vector.broadcast %convert_element_type3A_91 : f32 to vector<8x480xf32>
    %min3A_92 = arith.minimumf %min3A, %max3A_90 : vector<8x480xf32>
    %convert_element_type3A_93 = arith.fptosi %min3A_92 : vector<8x480xf32> to vector<8x480xi32>
    %add3A_94 = arith.constant 1.000000e+00 : f32
    %add3A_95 = vector.broadcast %add3A_94 : f32 to vector<8x480xf32>
    %add3A_96 = arith.addf %round3A, %add3A_95 : vector<8x480xf32>
    %jit3A_97 = arith.constant 0 : i32
    %jit3A_98 = arith.constant 449 : i32
    %convert_element_type3A_99 = arith.sitofp %jit3A_97 : i32 to f32
    %max3A_100 = vector.broadcast %convert_element_type3A_99 : f32 to vector<8x480xf32>
    %max3A_101 = arith.maximumf %max3A_100, %add3A_96 : vector<8x480xf32>
    %convert_element_type3A_102 = arith.sitofp %jit3A_98 : i32 to f32
    %min3A_103 = vector.broadcast %convert_element_type3A_102 : f32 to vector<8x480xf32>
    %min3A_104 = arith.minimumf %min3A_103, %max3A_101 : vector<8x480xf32>
    %convert_element_type3A_105 = arith.fptosi %min3A_104 : vector<8x480xf32> to vector<8x480xi32>
    %jit3A_106 = arith.constant 0 : i32
    %jit3A_107 = arith.constant 479 : i32
    %convert_element_type3A_108 = arith.sitofp %jit3A_106 : i32 to f32
    %max3A_109 = vector.broadcast %convert_element_type3A_108 : f32 to vector<8x480xf32>
    %max3A_110 = arith.maximumf %max3A_109, %round3A_83 : vector<8x480xf32>
    %convert_element_type3A_111 = arith.sitofp %jit3A_107 : i32 to f32
    %min3A_112 = vector.broadcast %convert_element_type3A_111 : f32 to vector<8x480xf32>
    %min3A_113 = arith.minimumf %min3A_112, %max3A_110 : vector<8x480xf32>
    %convert_element_type3A_114 = arith.fptosi %min3A_113 : vector<8x480xf32> to vector<8x480xi32>
    %add3A_115 = arith.constant 1.000000e+00 : f32
    %add3A_116 = vector.broadcast %add3A_115 : f32 to vector<8x480xf32>
    %add3A_117 = arith.addf %round3A_83, %add3A_116 : vector<8x480xf32>
    %jit3A_118 = arith.constant 0 : i32
    %jit3A_119 = arith.constant 479 : i32
    %convert_element_type3A_120 = arith.sitofp %jit3A_118 : i32 to f32
    %max3A_121 = vector.broadcast %convert_element_type3A_120 : f32 to vector<8x480xf32>
    %max3A_122 = arith.maximumf %max3A_121, %add3A_117 : vector<8x480xf32>
    %convert_element_type3A_123 = arith.sitofp %jit3A_119 : i32 to f32
    %min3A_124 = vector.broadcast %convert_element_type3A_123 : f32 to vector<8x480xf32>
    %min3A_125 = arith.minimumf %min3A_124, %max3A_122 : vector<8x480xf32>
    %convert_element_type3A_126 = arith.fptosi %min3A_125 : vector<8x480xf32> to vector<8x480xi32>
    %mul3A_127 = arith.constant 480 : i32
    %mul3A_128 = vector.broadcast %mul3A_127 : i32 to vector<8x480xi32>
    %mul3A_129 = arith.muli %convert_element_type3A_93, %mul3A_128 : vector<8x480xi32>
    %add3A_130 = arith.addi %mul3A_129, %convert_element_type3A_114 : vector<8x480xi32>
    %mul3A_131 = arith.constant 480 : i32
    %mul3A_132 = vector.broadcast %mul3A_131 : i32 to vector<8x480xi32>
    %mul3A_133 = arith.muli %convert_element_type3A_105, %mul3A_132 : vector<8x480xi32>
    %add3A_134 = arith.addi %mul3A_133, %convert_element_type3A_114 : vector<8x480xi32>
    %mul3A_135 = arith.constant 480 : i32
    %mul3A_136 = vector.broadcast %mul3A_135 : i32 to vector<8x480xi32>
    %mul3A_137 = arith.muli %convert_element_type3A_93, %mul3A_136 : vector<8x480xi32>
    %add3A_138 = arith.addi %mul3A_137, %convert_element_type3A_126 : vector<8x480xi32>
    %mul3A_139 = arith.constant 480 : i32
    %mul3A_140 = vector.broadcast %mul3A_139 : i32 to vector<8x480xi32>
    %mul3A_141 = arith.muli %convert_element_type3A_105, %mul3A_140 : vector<8x480xi32>
    %add3A_142 = arith.addi %mul3A_141, %convert_element_type3A_126 : vector<8x480xi32>
    %concatenate3A = tpu.concatenate %add3A_130, %add3A_134, %add3A_138, %add3A_142 in 1 : vector<8x480xi32>, vector<8x480xi32>, vector<8x480xi32>, vector<8x480xi32> -> vector<8x1920xi32>
    %mul3A_143 = arith.mulf %sub3A_84, %sub3A_86 : vector<8x480xf32>
    %sub3A_144 = arith.constant 1.000000e+00 : f32
    %sub3A_145 = vector.broadcast %sub3A_144 : f32 to vector<8x480xf32>
    %sub3A_146 = arith.subf %sub3A_145, %sub3A_86 : vector<8x480xf32>
    %mul3A_147 = arith.mulf %sub3A_84, %sub3A_146 : vector<8x480xf32>
    %sub3A_148 = arith.constant 1.000000e+00 : f32
    %sub3A_149 = vector.broadcast %sub3A_148 : f32 to vector<8x480xf32>
    %sub3A_150 = arith.subf %sub3A_149, %sub3A_84 : vector<8x480xf32>
    %mul3A_151 = arith.mulf %sub3A_150, %sub3A_86 : vector<8x480xf32>
    %sub3A_152 = arith.constant 1.000000e+00 : f32
    %sub3A_153 = vector.broadcast %sub3A_152 : f32 to vector<8x480xf32>
    %sub3A_154 = arith.subf %sub3A_153, %sub3A_84 : vector<8x480xf32>
    %sub3A_155 = arith.constant 1.000000e+00 : f32
    %sub3A_156 = vector.broadcast %sub3A_155 : f32 to vector<8x480xf32>
    %sub3A_157 = arith.subf %sub3A_156, %sub3A_86 : vector<8x480xf32>
    %mul3A_158 = arith.mulf %sub3A_154, %sub3A_157 : vector<8x480xf32>
    %concatenate3A_159 = tpu.concatenate %mul3A_143, %mul3A_147, %mul3A_151, %mul3A_158 in 1 : vector<8x480xf32>, vector<8x480xf32>, vector<8x480xf32>, vector<8x480xf32> -> vector<8x1920xf32>
    %swap3A = arith.constant 0 : index
    %swap3A_160 = arith.constant 0 : index
    %swap3A_161 = arith.constant 0 : index
    %swap3A_162 = vector.load %arg2[%swap3A, %swap3A_160, %swap3A_161] : memref<10x8x1920xi32, #tpu.memory_space<vmem>>, vector<1x8x1920xi32>
    %swap3A_163 = vector.shape_cast %swap3A_162 : vector<1x8x1920xi32> to vector<8x1920xi32>
    %swap3A_164 = vector.shape_cast %concatenate3A : vector<8x1920xi32> to vector<1x8x1920xi32>
    tpu.vector_store %arg2[%swap3A, %swap3A_160, %swap3A_161], %swap3A_164 {strides = array<i32>} : memref<10x8x1920xi32, #tpu.memory_space<vmem>>, vector<1x8x1920xi32>,
    %swap3A_165 = arith.constant 0 : index
    %swap3A_166 = arith.constant 0 : index
    %swap3A_167 = arith.constant 0 : index
    %swap3A_168 = vector.load %arg3[%swap3A_165, %swap3A_166, %swap3A_167] : memref<10x8x1920xf32, #tpu.memory_space<vmem>>, vector<1x8x1920xf32>
    %swap3A_169 = vector.shape_cast %swap3A_168 : vector<1x8x1920xf32> to vector<8x1920xf32>
    %swap3A_170 = vector.shape_cast %concatenate3A_159 : vector<8x1920xf32> to vector<1x8x1920xf32>
    tpu.vector_store %arg3[%swap3A_165, %swap3A_166, %swap3A_167], %swap3A_170 {strides = array<i32>} : memref<10x8x1920xf32, #tpu.memory_space<vmem>>, vector<1x8x1920xf32>,
    %mul3A_171 = arith.constant 10 : i32
    %mul3A_172 = arith.muli %arg0, %mul3A_171 : i32
    %add3A_173 = arith.constant 1 : i32
    %add3A_174 = arith.addi %mul3A_172, %add3A_173 : i32
    %convert_element_type3A_175 = arith.sitofp %add3A_174 : i32 to f32
    %div3A_176 = arith.constant 4.500000e+02 : f32
    %div3A_177 = arith.divf %convert_element_type3A_175, %div3A_176 : f32
    %mul3A_178 = vector.broadcast %div3A_177 : f32 to vector<100x480xf32>
    %mul3A_179 = arith.mulf %convert_element_type3A, %mul3A_178 : vector<100x480xf32>
    %mul3A_180 = arith.mulf %convert_element_type3A_42, %div3A_47 : vector<100x480xf32>
    %add3A_181 = arith.addf %mul3A_179, %mul3A_180 : vector<100x480xf32>
    %mul3A_182 = arith.constant 6.28318548 : f32
    %mul3A_183 = vector.broadcast %mul3A_182 : f32 to vector<100x480xf32>
    %mul3A_184 = arith.mulf %mul3A_183, %add3A_181 : vector<100x480xf32>
    %cos3A_185 = math.cos %mul3A_184 : vector<100x480xf32>
    %get3A_186 = arith.constant 0 : index
    %get3A_187 = arith.constant 0 : index
    %get3A_188 = arith.constant 0 : index
    %get3A_189 = vector.load %arg1[%get3A_186, %get3A_187, %get3A_188] : memref<2x8x100xf32, #tpu.memory_space<vmem>>, vector<1x8x100xf32>
    %get3A_190 = vector.shape_cast %get3A_189 : vector<1x8x100xf32> to vector<8x100xf32>
    %dot_general3A_191 = arith.constant dense<0.000000e+00> : vector<8x480xf32>
    %dot_general3A_192 = tpu.matmul %get3A_190, %cos3A_185, %dot_general3A_191 {dimension_numbers = #tpu.dot_dimension_numbers<[1], [0], [0], [1], [0, 0, 1, 1], [], []>, transpose_lhs_hint = false} : vector<8x100xf32>, vector<100x480xf32>, vector<8x480xf32> -> vector<8x480xf32>
    %get3A_193 = arith.constant 1 : index
    %get3A_194 = arith.constant 0 : index
    %get3A_195 = arith.constant 0 : index
    %get3A_196 = vector.load %arg1[%get3A_193, %get3A_194, %get3A_195] : memref<2x8x100xf32, #tpu.memory_space<vmem>>, vector<1x8x100xf32>
    %get3A_197 = vector.shape_cast %get3A_196 : vector<1x8x100xf32> to vector<8x100xf32>
    %dot_general3A_198 = arith.constant dense<0.000000e+00> : vector<8x480xf32>
    %dot_general3A_199 = tpu.matmul %get3A_197, %cos3A_185, %dot_general3A_198 {dimension_numbers = #tpu.dot_dimension_numbers<[1], [0], [0], [1], [0, 0, 1, 1], [], []>, transpose_lhs_hint = false} : vector<8x100xf32>, vector<100x480xf32>, vector<8x480xf32> -> vector<8x480xf32>
    %neg3A_200 = arith.constant 0.000000e+00 : f32
    %neg3A_201 = vector.broadcast %neg3A_200 : f32 to vector<8x480xf32>
    %neg3A_202 = arith.subf %neg3A_201, %dot_general3A_192 : vector<8x480xf32>
    %add3A_203 = vector.broadcast %convert_element_type3A_175 : f32 to vector<8x480xf32>
    %add3A_204 = arith.addf %add3A_203, %neg3A_202 : vector<8x480xf32>
    %neg3A_205 = arith.constant 0.000000e+00 : f32
    %neg3A_206 = vector.broadcast %neg3A_205 : f32 to vector<8x480xf32>
    %neg3A_207 = arith.subf %neg3A_206, %dot_general3A_199 : vector<8x480xf32>
    %add3A_208 = arith.addf %convert_element_type3A_49, %neg3A_207 : vector<8x480xf32>
    %round3A_209 = math.roundeven %add3A_204 : vector<8x480xf32>
    %round3A_210 = math.roundeven %add3A_208 : vector<8x480xf32>
    %floor3A_211 = math.floor %add3A_204 : vector<8x480xf32>
    %sub3A_212 = arith.subf %add3A_204, %floor3A_211 : vector<8x480xf32>
    %floor3A_213 = math.floor %add3A_208 : vector<8x480xf32>
    %sub3A_214 = arith.subf %add3A_208, %floor3A_213 : vector<8x480xf32>
    %jit3A_215 = arith.constant 0 : i32
    %jit3A_216 = arith.constant 449 : i32
    %convert_element_type3A_217 = arith.sitofp %jit3A_215 : i32 to f32
    %max3A_218 = vector.broadcast %convert_element_type3A_217 : f32 to vector<8x480xf32>
    %max3A_219 = arith.maximumf %max3A_218, %round3A_209 : vector<8x480xf32>
    %convert_element_type3A_220 = arith.sitofp %jit3A_216 : i32 to f32
    %min3A_221 = vector.broadcast %convert_element_type3A_220 : f32 to vector<8x480xf32>
    %min3A_222 = arith.minimumf %min3A_221, %max3A_219 : vector<8x480xf32>
    %convert_element_type3A_223 = arith.fptosi %min3A_222 : vector<8x480xf32> to vector<8x480xi32>
    %add3A_224 = arith.constant 1.000000e+00 : f32
    %add3A_225 = vector.broadcast %add3A_224 : f32 to vector<8x480xf32>
    %add3A_226 = arith.addf %round3A_209, %add3A_225 : vector<8x480xf32>
    %jit3A_227 = arith.constant 0 : i32
    %jit3A_228 = arith.constant 449 : i32
    %convert_element_type3A_229 = arith.sitofp %jit3A_227 : i32 to f32
    %max3A_230 = vector.broadcast %convert_element_type3A_229 : f32 to vector<8x480xf32>
    %max3A_231 = arith.maximumf %max3A_230, %add3A_226 : vector<8x480xf32>
    %convert_element_type3A_232 = arith.sitofp %jit3A_228 : i32 to f32
    %min3A_233 = vector.broadcast %convert_element_type3A_232 : f32 to vector<8x480xf32>
    %min3A_234 = arith.minimumf %min3A_233, %max3A_231 : vector<8x480xf32>
    %convert_element_type3A_235 = arith.fptosi %min3A_234 : vector<8x480xf32> to vector<8x480xi32>
    %jit3A_236 = arith.constant 0 : i32
    %jit3A_237 = arith.constant 479 : i32
    %convert_element_type3A_238 = arith.sitofp %jit3A_236 : i32 to f32
    %max3A_239 = vector.broadcast %convert_element_type3A_238 : f32 to vector<8x480xf32>
    %max3A_240 = arith.maximumf %max3A_239, %round3A_210 : vector<8x480xf32>
    %convert_element_type3A_241 = arith.sitofp %jit3A_237 : i32 to f32
    %min3A_242 = vector.broadcast %convert_element_type3A_241 : f32 to vector<8x480xf32>
    %min3A_243 = arith.minimumf %min3A_242, %max3A_240 : vector<8x480xf32>
    %convert_element_type3A_244 = arith.fptosi %min3A_243 : vector<8x480xf32> to vector<8x480xi32>
    %add3A_245 = arith.constant 1.000000e+00 : f32
    %add3A_246 = vector.broadcast %add3A_245 : f32 to vector<8x480xf32>
    %add3A_247 = arith.addf %round3A_210, %add3A_246 : vector<8x480xf32>
    %jit3A_248 = arith.constant 0 : i32
    %jit3A_249 = arith.constant 479 : i32
    %convert_element_type3A_250 = arith.sitofp %jit3A_248 : i32 to f32
    %max3A_251 = vector.broadcast %convert_element_type3A_250 : f32 to vector<8x480xf32>
    %max3A_252 = arith.maximumf %max3A_251, %add3A_247 : vector<8x480xf32>
    %convert_element_type3A_253 = arith.sitofp %jit3A_249 : i32 to f32
    %min3A_254 = vector.broadcast %convert_element_type3A_253 : f32 to vector<8x480xf32>
    %min3A_255 = arith.minimumf %min3A_254, %max3A_252 : vector<8x480xf32>
    %convert_element_type3A_256 = arith.fptosi %min3A_255 : vector<8x480xf32> to vector<8x480xi32>
    %mul3A_257 = arith.constant 480 : i32
    %mul3A_258 = vector.broadcast %mul3A_257 : i32 to vector<8x480xi32>
    %mul3A_259 = arith.muli %convert_element_type3A_223, %mul3A_258 : vector<8x480xi32>
    %add3A_260 = arith.addi %mul3A_259, %convert_element_type3A_244 : vector<8x480xi32>
    %mul3A_261 = arith.constant 480 : i32
    %mul3A_262 = vector.broadcast %mul3A_261 : i32 to vector<8x480xi32>
    %mul3A_263 = arith.muli %convert_element_type3A_235, %mul3A_262 : vector<8x480xi32>
    %add3A_264 = arith.addi %mul3A_263, %convert_element_type3A_244 : vector<8x480xi32>
    %mul3A_265 = arith.constant 480 : i32
    %mul3A_266 = vector.broadcast %mul3A_265 : i32 to vector<8x480xi32>
    %mul3A_267 = arith.muli %convert_element_type3A_223, %mul3A_266 : vector<8x480xi32>
    %add3A_268 = arith.addi %mul3A_267, %convert_element_type3A_256 : vector<8x480xi32>
    %mul3A_269 = arith.constant 480 : i32
    %mul3A_270 = vector.broadcast %mul3A_269 : i32 to vector<8x480xi32>
    %mul3A_271 = arith.muli %convert_element_type3A_235, %mul3A_270 : vector<8x480xi32>
    %add3A_272 = arith.addi %mul3A_271, %convert_element_type3A_256 : vector<8x480xi32>
    %concatenate3A_273 = tpu.concatenate %add3A_260, %add3A_264, %add3A_268, %add3A_272 in 1 : vector<8x480xi32>, vector<8x480xi32>, vector<8x480xi32>, vector<8x480xi32> -> vector<8x1920xi32>
    %mul3A_274 = arith.mulf %sub3A_212, %sub3A_214 : vector<8x480xf32>
    %sub3A_275 = arith.constant 1.000000e+00 : f32
    %sub3A_276 = vector.broadcast %sub3A_275 : f32 to vector<8x480xf32>
    %sub3A_277 = arith.subf %sub3A_276, %sub3A_214 : vector<8x480xf32>
    %mul3A_278 = arith.mulf %sub3A_212, %sub3A_277 : vector<8x480xf32>
    %sub3A_279 = arith.constant 1.000000e+00 : f32
    %sub3A_280 = vector.broadcast %sub3A_279 : f32 to vector<8x480xf32>
    %sub3A_281 = arith.subf %sub3A_280, %sub3A_212 : vector<8x480xf32>
    %mul3A_282 = arith.mulf %sub3A_281, %sub3A_214 : vector<8x480xf32>
    %sub3A_283 = arith.constant 1.000000e+00 : f32
    %sub3A_284 = vector.broadcast %sub3A_283 : f32 to vector<8x480xf32>
    %sub3A_285 = arith.subf %sub3A_284, %sub3A_212 : vector<8x480xf32>
    %sub3A_286 = arith.constant 1.000000e+00 : f32
    %sub3A_287 = vector.broadcast %sub3A_286 : f32 to vector<8x480xf32>
    %sub3A_288 = arith.subf %sub3A_287, %sub3A_214 : vector<8x480xf32>
    %mul3A_289 = arith.mulf %sub3A_285, %sub3A_288 : vector<8x480xf32>
    %concatenate3A_290 = tpu.concatenate %mul3A_274, %mul3A_278, %mul3A_282, %mul3A_289 in 1 : vector<8x480xf32>, vector<8x480xf32>, vector<8x480xf32>, vector<8x480xf32> -> vector<8x1920xf32>
    %swap3A_291 = arith.constant 1 : index
    %swap3A_292 = arith.constant 0 : index
    %swap3A_293 = arith.constant 0 : index
    %swap3A_294 = vector.load %arg2[%swap3A_291, %swap3A_292, %swap3A_293] : memref<10x8x1920xi32, #tpu.memory_space<vmem>>, vector<1x8x1920xi32>
    %swap3A_295 = vector.shape_cast %swap3A_294 : vector<1x8x1920xi32> to vector<8x1920xi32>
    %swap3A_296 = vector.shape_cast %concatenate3A_273 : vector<8x1920xi32> to vector<1x8x1920xi32>
    tpu.vector_store %arg2[%swap3A_291, %swap3A_292, %swap3A_293], %swap3A_296 {strides = array<i32>} : memref<10x8x1920xi32, #tpu.memory_space<vmem>>, vector<1x8x1920xi32>,
    %swap3A_297 = arith.constant 1 : index
    %swap3A_298 = arith.constant 0 : index
    %swap3A_299 = arith.constant 0 : index
    %swap3A_300 = vector.load %arg3[%swap3A_297, %swap3A_298, %swap3A_299] : memref<10x8x1920xf32, #tpu.memory_space<vmem>>, vector<1x8x1920xf32>
    %swap3A_301 = vector.shape_cast %swap3A_300 : vector<1x8x1920xf32> to vector<8x1920xf32>
    %swap3A_302 = vector.shape_cast %concatenate3A_290 : vector<8x1920xf32> to vector<1x8x1920xf32>
    tpu.vector_store %arg3[%swap3A_297, %swap3A_298, %swap3A_299], %swap3A_302 {strides = array<i32>} : memref<10x8x1920xf32, #tpu.memory_space<vmem>>, vector<1x8x1920xf32>,
    %mul3A_303 = arith.constant 10 : i32
    %mul3A_304 = arith.muli %arg0, %mul3A_303 : i32
    %add3A_305 = arith.constant 2 : i32
    %add3A_306 = arith.addi %mul3A_304, %add3A_305 : i32
    %convert_element_type3A_307 = arith.sitofp %add3A_306 : i32 to f32
    %div3A_308 = arith.constant 4.500000e+02 : f32
    %div3A_309 = arith.divf %convert_element_type3A_307, %div3A_308 : f32
    %mul3A_310 = vector.broadcast %div3A_309 : f32 to vector<100x480xf32>
    %mul3A_311 = arith.mulf %convert_element_type3A, %mul3A_310 : vector<100x480xf32>
    %mul3A_312 = arith.mulf %convert_element_type3A_42, %div3A_47 : vector<100x480xf32>
    %add3A_313 = arith.addf %mul3A_311, %mul3A_312 : vector<100x480xf32>
    %mul3A_314 = arith.constant 6.28318548 : f32
    %mul3A_315 = vector.broadcast %mul3A_314 : f32 to vector<100x480xf32>
    %mul3A_316 = arith.mulf %mul3A_315, %add3A_313 : vector<100x480xf32>
    %cos3A_317 = math.cos %mul3A_316 : vector<100x480xf32>
    %get3A_318 = arith.constant 0 : index
    %get3A_319 = arith.constant 0 : index
    %get3A_320 = arith.constant 0 : index
    %get3A_321 = vector.load %arg1[%get3A_318, %get3A_319, %get3A_320] : memref<2x8x100xf32, #tpu.memory_space<vmem>>, vector<1x8x100xf32>
    %get3A_322 = vector.shape_cast %get3A_321 : vector<1x8x100xf32> to vector<8x100xf32>
    %dot_general3A_323 = arith.constant dense<0.000000e+00> : vector<8x480xf32>
    %dot_general3A_324 = tpu.matmul %get3A_322, %cos3A_317, %dot_general3A_323 {dimension_numbers = #tpu.dot_dimension_numbers<[1], [0], [0], [1], [0, 0, 1, 1], [], []>, transpose_lhs_hint = false} : vector<8x100xf32>, vector<100x480xf32>, vector<8x480xf32> -> vector<8x480xf32>
    %get3A_325 = arith.constant 1 : index
    %get3A_326 = arith.constant 0 : index
    %get3A_327 = arith.constant 0 : index
    %get3A_328 = vector.load %arg1[%get3A_325, %get3A_326, %get3A_327] : memref<2x8x100xf32, #tpu.memory_space<vmem>>, vector<1x8x100xf32>
    %get3A_329 = vector.shape_cast %get3A_328 : vector<1x8x100xf32> to vector<8x100xf32>
    %dot_general3A_330 = arith.constant dense<0.000000e+00> : vector<8x480xf32>
    %dot_general3A_331 = tpu.matmul %get3A_329, %cos3A_317, %dot_general3A_330 {dimension_numbers = #tpu.dot_dimension_numbers<[1], [0], [0], [1], [0, 0, 1, 1], [], []>, transpose_lhs_hint = false} : vector<8x100xf32>, vector<100x480xf32>, vector<8x480xf32> -> vector<8x480xf32>
    %neg3A_332 = arith.constant 0.000000e+00 : f32
    %neg3A_333 = vector.broadcast %neg3A_332 : f32 to vector<8x480xf32>
    %neg3A_334 = arith.subf %neg3A_333, %dot_general3A_324 : vector<8x480xf32>
    %add3A_335 = vector.broadcast %convert_element_type3A_307 : f32 to vector<8x480xf32>
    %add3A_336 = arith.addf %add3A_335, %neg3A_334 : vector<8x480xf32>
    %neg3A_337 = arith.constant 0.000000e+00 : f32
    %neg3A_338 = vector.broadcast %neg3A_337 : f32 to vector<8x480xf32>
    %neg3A_339 = arith.subf %neg3A_338, %dot_general3A_331 : vector<8x480xf32>
    %add3A_340 = arith.addf %convert_element_type3A_49, %neg3A_339 : vector<8x480xf32>
    %round3A_341 = math.roundeven %add3A_336 : vector<8x480xf32>
    %round3A_342 = math.roundeven %add3A_340 : vector<8x480xf32>
    %floor3A_343 = math.floor %add3A_336 : vector<8x480xf32>
    %sub3A_344 = arith.subf %add3A_336, %floor3A_343 : vector<8x480xf32>
    %floor3A_345 = math.floor %add3A_340 : vector<8x480xf32>
    %sub3A_346 = arith.subf %add3A_340, %floor3A_345 : vector<8x480xf32>
    %jit3A_347 = arith.constant 0 : i32
    %jit3A_348 = arith.constant 449 : i32
    %convert_element_type3A_349 = arith.sitofp %jit3A_347 : i32 to f32
    %max3A_350 = vector.broadcast %convert_element_type3A_349 : f32 to vector<8x480xf32>
    %max3A_351 = arith.maximumf %max3A_350, %round3A_341 : vector<8x480xf32>
    %convert_element_type3A_352 = arith.sitofp %jit3A_348 : i32 to f32
    %min3A_353 = vector.broadcast %convert_element_type3A_352 : f32 to vector<8x480xf32>
    %min3A_354 = arith.minimumf %min3A_353, %max3A_351 : vector<8x480xf32>
    %convert_element_type3A_355 = arith.fptosi %min3A_354 : vector<8x480xf32> to vector<8x480xi32>
    %add3A_356 = arith.constant 1.000000e+00 : f32
    %add3A_357 = vector.broadcast %add3A_356 : f32 to vector<8x480xf32>
    %add3A_358 = arith.addf %round3A_341, %add3A_357 : vector<8x480xf32>
    %jit3A_359 = arith.constant 0 : i32
    %jit3A_360 = arith.constant 449 : i32
    %convert_element_type3A_361 = arith.sitofp %jit3A_359 : i32 to f32
    %max3A_362 = vector.broadcast %convert_element_type3A_361 : f32 to vector<8x480xf32>
    %max3A_363 = arith.maximumf %max3A_362, %add3A_358 : vector<8x480xf32>
    %convert_element_type3A_364 = arith.sitofp %jit3A_360 : i32 to f32
    %min3A_365 = vector.broadcast %convert_element_type3A_364 : f32 to vector<8x480xf32>
    %min3A_366 = arith.minimumf %min3A_365, %max3A_363 : vector<8x480xf32>
    %convert_element_type3A_367 = arith.fptosi %min3A_366 : vector<8x480xf32> to vector<8x480xi32>
    %jit3A_368 = arith.constant 0 : i32
    %jit3A_369 = arith.constant 479 : i32
    %convert_element_type3A_370 = arith.sitofp %jit3A_368 : i32 to f32
    %max3A_371 = vector.broadcast %convert_element_type3A_370 : f32 to vector<8x480xf32>
    %max3A_372 = arith.maximumf %max3A_371, %round3A_342 : vector<8x480xf32>
    %convert_element_type3A_373 = arith.sitofp %jit3A_369 : i32 to f32
    %min3A_374 = vector.broadcast %convert_element_type3A_373 : f32 to vector<8x480xf32>
    %min3A_375 = arith.minimumf %min3A_374, %max3A_372 : vector<8x480xf32>
    %convert_element_type3A_376 = arith.fptosi %min3A_375 : vector<8x480xf32> to vector<8x480xi32>
    %add3A_377 = arith.constant 1.000000e+00 : f32
    %add3A_378 = vector.broadcast %add3A_377 : f32 to vector<8x480xf32>
    %add3A_379 = arith.addf %round3A_342, %add3A_378 : vector<8x480xf32>
    %jit3A_380 = arith.constant 0 : i32
    %jit3A_381 = arith.constant 479 : i32
    %convert_element_type3A_382 = arith.sitofp %jit3A_380 : i32 to f32
    %max3A_383 = vector.broadcast %convert_element_type3A_382 : f32 to vector<8x480xf32>
    %max3A_384 = arith.maximumf %max3A_383, %add3A_379 : vector<8x480xf32>
    %convert_element_type3A_385 = arith.sitofp %jit3A_381 : i32 to f32
    %min3A_386 = vector.broadcast %convert_element_type3A_385 : f32 to vector<8x480xf32>
    %min3A_387 = arith.minimumf %min3A_386, %max3A_384 : vector<8x480xf32>
    %convert_element_type3A_388 = arith.fptosi %min3A_387 : vector<8x480xf32> to vector<8x480xi32>
    %mul3A_389 = arith.constant 480 : i32
    %mul3A_390 = vector.broadcast %mul3A_389 : i32 to vector<8x480xi32>
    %mul3A_391 = arith.muli %convert_element_type3A_355, %mul3A_390 : vector<8x480xi32>
    %add3A_392 = arith.addi %mul3A_391, %convert_element_type3A_376 : vector<8x480xi32>
    %mul3A_393 = arith.constant 480 : i32
    %mul3A_394 = vector.broadcast %mul3A_393 : i32 to vector<8x480xi32>
    %mul3A_395 = arith.muli %convert_element_type3A_367, %mul3A_394 : vector<8x480xi32>
    %add3A_396 = arith.addi %mul3A_395, %convert_element_type3A_376 : vector<8x480xi32>
    %mul3A_397 = arith.constant 480 : i32
    %mul3A_398 = vector.broadcast %mul3A_397 : i32 to vector<8x480xi32>
    %mul3A_399 = arith.muli %convert_element_type3A_355, %mul3A_398 : vector<8x480xi32>
    %add3A_400 = arith.addi %mul3A_399, %convert_element_type3A_388 : vector<8x480xi32>
    %mul3A_401 = arith.constant 480 : i32
    %mul3A_402 = vector.broadcast %mul3A_401 : i32 to vector<8x480xi32>
    %mul3A_403 = arith.muli %convert_element_type3A_367, %mul3A_402 : vector<8x480xi32>
    %add3A_404 = arith.addi %mul3A_403, %convert_element_type3A_388 : vector<8x480xi32>
    %concatenate3A_405 = tpu.concatenate %add3A_392, %add3A_396, %add3A_400, %add3A_404 in 1 : vector<8x480xi32>, vector<8x480xi32>, vector<8x480xi32>, vector<8x480xi32> -> vector<8x1920xi32>
    %mul3A_406 = arith.mulf %sub3A_344, %sub3A_346 : vector<8x480xf32>
    %sub3A_407 = arith.constant 1.000000e+00 : f32
    %sub3A_408 = vector.broadcast %sub3A_407 : f32 to vector<8x480xf32>
    %sub3A_409 = arith.subf %sub3A_408, %sub3A_346 : vector<8x480xf32>
    %mul3A_410 = arith.mulf %sub3A_344, %sub3A_409 : vector<8x480xf32>
    %sub3A_411 = arith.constant 1.000000e+00 : f32
    %sub3A_412 = vector.broadcast %sub3A_411 : f32 to vector<8x480xf32>
    %sub3A_413 = arith.subf %sub3A_412, %sub3A_344 : vector<8x480xf32>
    %mul3A_414 = arith.mulf %sub3A_413, %sub3A_346 : vector<8x480xf32>
    %sub3A_415 = arith.constant 1.000000e+00 : f32
    %sub3A_416 = vector.broadcast %sub3A_415 : f32 to vector<8x480xf32>
    %sub3A_417 = arith.subf %sub3A_416, %sub3A_344 : vector<8x480xf32>
    %sub3A_418 = arith.constant 1.000000e+00 : f32
    %sub3A_419 = vector.broadcast %sub3A_418 : f32 to vector<8x480xf32>
    %sub3A_420 = arith.subf %sub3A_419, %sub3A_346 : vector<8x480xf32>
    %mul3A_421 = arith.mulf %sub3A_417, %sub3A_420 : vector<8x480xf32>
    %concatenate3A_422 = tpu.concatenate %mul3A_406, %mul3A_410, %mul3A_414, %mul3A_421 in 1 : vector<8x480xf32>, vector<8x480xf32>, vector<8x480xf32>, vector<8x480xf32> -> vector<8x1920xf32>
    %swap3A_423 = arith.constant 2 : index
    %swap3A_424 = arith.constant 0 : index
    %swap3A_425 = arith.constant 0 : index
    %swap3A_426 = vector.load %arg2[%swap3A_423, %swap3A_424, %swap3A_425] : memref<10x8x1920xi32, #tpu.memory_space<vmem>>, vector<1x8x1920xi32>
    %swap3A_427 = vector.shape_cast %swap3A_426 : vector<1x8x1920xi32> to vector<8x1920xi32>
    %swap3A_428 = vector.shape_cast %concatenate3A_405 : vector<8x1920xi32> to vector<1x8x1920xi32>
    tpu.vector_store %arg2[%swap3A_423, %swap3A_424, %swap3A_425], %swap3A_428 {strides = array<i32>} : memref<10x8x1920xi32, #tpu.memory_space<vmem>>, vector<1x8x1920xi32>,
    %swap3A_429 = arith.constant 2 : index
    %swap3A_430 = arith.constant 0 : index
    %swap3A_431 = arith.constant 0 : index
    %swap3A_432 = vector.load %arg3[%swap3A_429, %swap3A_430, %swap3A_431] : memref<10x8x1920xf32, #tpu.memory_space<vmem>>, vector<1x8x1920xf32>
    %swap3A_433 = vector.shape_cast %swap3A_432 : vector<1x8x1920xf32> to vector<8x1920xf32>
    %swap3A_434 = vector.shape_cast %concatenate3A_422 : vector<8x1920xf32> to vector<1x8x1920xf32>
    tpu.vector_store %arg3[%swap3A_429, %swap3A_430, %swap3A_431], %swap3A_434 {strides = array<i32>} : memref<10x8x1920xf32, #tpu.memory_space<vmem>>, vector<1x8x1920xf32>,
    %mul3A_435 = arith.constant 10 : i32
    %mul3A_436 = arith.muli %arg0, %mul3A_435 : i32
    %add3A_437 = arith.constant 3 : i32
    %add3A_438 = arith.addi %mul3A_436, %add3A_437 : i32
    %convert_element_type3A_439 = arith.sitofp %add3A_438 : i32 to f32
    %div3A_440 = arith.constant 4.500000e+02 : f32
    %div3A_441 = arith.divf %convert_element_type3A_439, %div3A_440 : f32
    %mul3A_442 = vector.broadcast %div3A_441 : f32 to vector<100x480xf32>
    %mul3A_443 = arith.mulf %convert_element_type3A, %mul3A_442 : vector<100x480xf32>
    %mul3A_444 = arith.mulf %convert_element_type3A_42, %div3A_47 : vector<100x480xf32>
    %add3A_445 = arith.addf %mul3A_443, %mul3A_444 : vector<100x480xf32>
    %mul3A_446 = arith.constant 6.28318548 : f32
    %mul3A_447 = vector.broadcast %mul3A_446 : f32 to vector<100x480xf32>
    %mul3A_448 = arith.mulf %mul3A_447, %add3A_445 : vector<100x480xf32>
    %cos3A_449 = math.cos %mul3A_448 : vector<100x480xf32>
    %get3A_450 = arith.constant 0 : index
    %get3A_451 = arith.constant 0 : index
    %get3A_452 = arith.constant 0 : index
    %get3A_453 = vector.load %arg1[%get3A_450, %get3A_451, %get3A_452] : memref<2x8x100xf32, #tpu.memory_space<vmem>>, vector<1x8x100xf32>
    %get3A_454 = vector.shape_cast %get3A_453 : vector<1x8x100xf32> to vector<8x100xf32>
    %dot_general3A_455 = arith.constant dense<0.000000e+00> : vector<8x480xf32>
    %dot_general3A_456 = tpu.matmul %get3A_454, %cos3A_449, %dot_general3A_455 {dimension_numbers = #tpu.dot_dimension_numbers<[1], [0], [0], [1], [0, 0, 1, 1], [], []>, transpose_lhs_hint = false} : vector<8x100xf32>, vector<100x480xf32>, vector<8x480xf32> -> vector<8x480xf32>
    %get3A_457 = arith.constant 1 : index
    %get3A_458 = arith.constant 0 : index
    %get3A_459 = arith.constant 0 : index
    %get3A_460 = vector.load %arg1[%get3A_457, %get3A_458, %get3A_459] : memref<2x8x100xf32, #tpu.memory_space<vmem>>, vector<1x8x100xf32>
    %get3A_461 = vector.shape_cast %get3A_460 : vector<1x8x100xf32> to vector<8x100xf32>
    %dot_general3A_462 = arith.constant dense<0.000000e+00> : vector<8x480xf32>
    %dot_general3A_463 = tpu.matmul %get3A_461, %cos3A_449, %dot_general3A_462 {dimension_numbers = #tpu.dot_dimension_numbers<[1], [0], [0], [1], [0, 0, 1, 1], [], []>, transpose_lhs_hint = false} : vector<8x100xf32>, vector<100x480xf32>, vector<8x480xf32> -> vector<8x480xf32>
    %neg3A_464 = arith.constant 0.000000e+00 : f32
    %neg3A_465 = vector.broadcast %neg3A_464 : f32 to vector<8x480xf32>
    %neg3A_466 = arith.subf %neg3A_465, %dot_general3A_456 : vector<8x480xf32>
    %add3A_467 = vector.broadcast %convert_element_type3A_439 : f32 to vector<8x480xf32>
    %add3A_468 = arith.addf %add3A_467, %neg3A_466 : vector<8x480xf32>
    %neg3A_469 = arith.constant 0.000000e+00 : f32
    %neg3A_470 = vector.broadcast %neg3A_469 : f32 to vector<8x480xf32>
    %neg3A_471 = arith.subf %neg3A_470, %dot_general3A_463 : vector<8x480xf32>
    %add3A_472 = arith.addf %convert_element_type3A_49, %neg3A_471 : vector<8x480xf32>
    %round3A_473 = math.roundeven %add3A_468 : vector<8x480xf32>
    %round3A_474 = math.roundeven %add3A_472 : vector<8x480xf32>
    %floor3A_475 = math.floor %add3A_468 : vector<8x480xf32>
    %sub3A_476 = arith.subf %add3A_468, %floor3A_475 : vector<8x480xf32>
    %floor3A_477 = math.floor %add3A_472 : vector<8x480xf32>
    %sub3A_478 = arith.subf %add3A_472, %floor3A_477 : vector<8x480xf32>
    %jit3A_479 = arith.constant 0 : i32
    %jit3A_480 = arith.constant 449 : i32
    %convert_element_type3A_481 = arith.sitofp %jit3A_479 : i32 to f32
    %max3A_482 = vector.broadcast %convert_element_type3A_481 : f32 to vector<8x480xf32>
    %max3A_483 = arith.maximumf %max3A_482, %round3A_473 : vector<8x480xf32>
    %convert_element_type3A_484 = arith.sitofp %jit3A_480 : i32 to f32
    %min3A_485 = vector.broadcast %convert_element_type3A_484 : f32 to vector<8x480xf32>
    %min3A_486 = arith.minimumf %min3A_485, %max3A_483 : vector<8x480xf32>
    %convert_element_type3A_487 = arith.fptosi %min3A_486 : vector<8x480xf32> to vector<8x480xi32>
    %add3A_488 = arith.constant 1.000000e+00 : f32
    %add3A_489 = vector.broadcast %add3A_488 : f32 to vector<8x480xf32>
    %add3A_490 = arith.addf %round3A_473, %add3A_489 : vector<8x480xf32>
    %jit3A_491 = arith.constant 0 : i32
    %jit3A_492 = arith.constant 449 : i32
    %convert_element_type3A_493 = arith.sitofp %jit3A_491 : i32 to f32
    %max3A_494 = vector.broadcast %convert_element_type3A_493 : f32 to vector<8x480xf32>
    %max3A_495 = arith.maximumf %max3A_494, %add3A_490 : vector<8x480xf32>
    %convert_element_type3A_496 = arith.sitofp %jit3A_492 : i32 to f32
    %min3A_497 = vector.broadcast %convert_element_type3A_496 : f32 to vector<8x480xf32>
    %min3A_498 = arith.minimumf %min3A_497, %max3A_495 : vector<8x480xf32>
    %convert_element_type3A_499 = arith.fptosi %min3A_498 : vector<8x480xf32> to vector<8x480xi32>
    %jit3A_500 = arith.constant 0 : i32
    %jit3A_501 = arith.constant 479 : i32
    %convert_element_type3A_502 = arith.sitofp %jit3A_500 : i32 to f32
    %max3A_503 = vector.broadcast %convert_element_type3A_502 : f32 to vector<8x480xf32>
    %max3A_504 = arith.maximumf %max3A_503, %round3A_474 : vector<8x480xf32>
    %convert_element_type3A_505 = arith.sitofp %jit3A_501 : i32 to f32
    %min3A_506 = vector.broadcast %convert_element_type3A_505 : f32 to vector<8x480xf32>
    %min3A_507 = arith.minimumf %min3A_506, %max3A_504 : vector<8x480xf32>
    %convert_element_type3A_508 = arith.fptosi %min3A_507 : vector<8x480xf32> to vector<8x480xi32>
    %add3A_509 = arith.constant 1.000000e+00 : f32
    %add3A_510 = vector.broadcast %add3A_509 : f32 to vector<8x480xf32>
    %add3A_511 = arith.addf %round3A_474, %add3A_510 : vector<8x480xf32>
    %jit3A_512 = arith.constant 0 : i32
    %jit3A_513 = arith.constant 479 : i32
    %convert_element_type3A_514 = arith.sitofp %jit3A_512 : i32 to f32
    %max3A_515 = vector.broadcast %convert_element_type3A_514 : f32 to vector<8x480xf32>
    %max3A_516 = arith.maximumf %max3A_515, %add3A_511 : vector<8x480xf32>
    %convert_element_type3A_517 = arith.sitofp %jit3A_513 : i32 to f32
    %min3A_518 = vector.broadcast %convert_element_type3A_517 : f32 to vector<8x480xf32>
    %min3A_519 = arith.minimumf %min3A_518, %max3A_516 : vector<8x480xf32>
    %convert_element_type3A_520 = arith.fptosi %min3A_519 : vector<8x480xf32> to vector<8x480xi32>
    %mul3A_521 = arith.constant 480 : i32
    %mul3A_522 = vector.broadcast %mul3A_521 : i32 to vector<8x480xi32>
    %mul3A_523 = arith.muli %convert_element_type3A_487, %mul3A_522 : vector<8x480xi32>
    %add3A_524 = arith.addi %mul3A_523, %convert_element_type3A_508 : vector<8x480xi32>
    %mul3A_525 = arith.constant 480 : i32
    %mul3A_526 = vector.broadcast %mul3A_525 : i32 to vector<8x480xi32>
    %mul3A_527 = arith.muli %convert_element_type3A_499, %mul3A_526 : vector<8x480xi32>
    %add3A_528 = arith.addi %mul3A_527, %convert_element_type3A_508 : vector<8x480xi32>
    %mul3A_529 = arith.constant 480 : i32
    %mul3A_530 = vector.broadcast %mul3A_529 : i32 to vector<8x480xi32>
    %mul3A_531 = arith.muli %convert_element_type3A_487, %mul3A_530 : vector<8x480xi32>
    %add3A_532 = arith.addi %mul3A_531, %convert_element_type3A_520 : vector<8x480xi32>
    %mul3A_533 = arith.constant 480 : i32
    %mul3A_534 = vector.broadcast %mul3A_533 : i32 to vector<8x480xi32>
    %mul3A_535 = arith.muli %convert_element_type3A_499, %mul3A_534 : vector<8x480xi32>
    %add3A_536 = arith.addi %mul3A_535, %convert_element_type3A_520 : vector<8x480xi32>
    %concatenate3A_537 = tpu.concatenate %add3A_524, %add3A_528, %add3A_532, %add3A_536 in 1 : vector<8x480xi32>, vector<8x480xi32>, vector<8x480xi32>, vector<8x480xi32> -> vector<8x1920xi32>
    %mul3A_538 = arith.mulf %sub3A_476, %sub3A_478 : vector<8x480xf32>
    %sub3A_539 = arith.constant 1.000000e+00 : f32
    %sub3A_540 = vector.broadcast %sub3A_539 : f32 to vector<8x480xf32>
    %sub3A_541 = arith.subf %sub3A_540, %sub3A_478 : vector<8x480xf32>
    %mul3A_542 = arith.mulf %sub3A_476, %sub3A_541 : vector<8x480xf32>
    %sub3A_543 = arith.constant 1.000000e+00 : f32
    %sub3A_544 = vector.broadcast %sub3A_543 : f32 to vector<8x480xf32>
    %sub3A_545 = arith.subf %sub3A_544, %sub3A_476 : vector<8x480xf32>
    %mul3A_546 = arith.mulf %sub3A_545, %sub3A_478 : vector<8x480xf32>
    %sub3A_547 = arith.constant 1.000000e+00 : f32
    %sub3A_548 = vector.broadcast %sub3A_547 : f32 to vector<8x480xf32>
    %sub3A_549 = arith.subf %sub3A_548, %sub3A_476 : vector<8x480xf32>
    %sub3A_550 = arith.constant 1.000000e+00 : f32
    %sub3A_551 = vector.broadcast %sub3A_550 : f32 to vector<8x480xf32>
    %sub3A_552 = arith.subf %sub3A_551, %sub3A_478 : vector<8x480xf32>
    %mul3A_553 = arith.mulf %sub3A_549, %sub3A_552 : vector<8x480xf32>
    %concatenate3A_554 = tpu.concatenate %mul3A_538, %mul3A_542, %mul3A_546, %mul3A_553 in 1 : vector<8x480xf32>, vector<8x480xf32>, vector<8x480xf32>, vector<8x480xf32> -> vector<8x1920xf32>
    %swap3A_555 = arith.constant 3 : index
    %swap3A_556 = arith.constant 0 : index
    %swap3A_557 = arith.constant 0 : index
    %swap3A_558 = vector.load %arg2[%swap3A_555, %swap3A_556, %swap3A_557] : memref<10x8x1920xi32, #tpu.memory_space<vmem>>, vector<1x8x1920xi32>
    %swap3A_559 = vector.shape_cast %swap3A_558 : vector<1x8x1920xi32> to vector<8x1920xi32>
    %swap3A_560 = vector.shape_cast %concatenate3A_537 : vector<8x1920xi32> to vector<1x8x1920xi32>
    tpu.vector_store %arg2[%swap3A_555, %swap3A_556, %swap3A_557], %swap3A_560 {strides = array<i32>} : memref<10x8x1920xi32, #tpu.memory_space<vmem>>, vector<1x8x1920xi32>,
    %swap3A_561 = arith.constant 3 : index
    %swap3A_562 = arith.constant 0 : index
    %swap3A_563 = arith.constant 0 : index
    %swap3A_564 = vector.load %arg3[%swap3A_561, %swap3A_562, %swap3A_563] : memref<10x8x1920xf32, #tpu.memory_space<vmem>>, vector<1x8x1920xf32>
    %swap3A_565 = vector.shape_cast %swap3A_564 : vector<1x8x1920xf32> to vector<8x1920xf32>
    %swap3A_566 = vector.shape_cast %concatenate3A_554 : vector<8x1920xf32> to vector<1x8x1920xf32>
    tpu.vector_store %arg3[%swap3A_561, %swap3A_562, %swap3A_563], %swap3A_566 {strides = array<i32>} : memref<10x8x1920xf32, #tpu.memory_space<vmem>>, vector<1x8x1920xf32>,
    %mul3A_567 = arith.constant 10 : i32
    %mul3A_568 = arith.muli %arg0, %mul3A_567 : i32
    %add3A_569 = arith.constant 4 : i32
    %add3A_570 = arith.addi %mul3A_568, %add3A_569 : i32
    %convert_element_type3A_571 = arith.sitofp %add3A_570 : i32 to f32
    %div3A_572 = arith.constant 4.500000e+02 : f32
    %div3A_573 = arith.divf %convert_element_type3A_571, %div3A_572 : f32
    %mul3A_574 = vector.broadcast %div3A_573 : f32 to vector<100x480xf32>
    %mul3A_575 = arith.mulf %convert_element_type3A, %mul3A_574 : vector<100x480xf32>
    %mul3A_576 = arith.mulf %convert_element_type3A_42, %div3A_47 : vector<100x480xf32>
    %add3A_577 = arith.addf %mul3A_575, %mul3A_576 : vector<100x480xf32>
    %mul3A_578 = arith.constant 6.28318548 : f32
    %mul3A_579 = vector.broadcast %mul3A_578 : f32 to vector<100x480xf32>
    %mul3A_580 = arith.mulf %mul3A_579, %add3A_577 : vector<100x480xf32>
    %cos3A_581 = math.cos %mul3A_580 : vector<100x480xf32>
    %get3A_582 = arith.constant 0 : index
    %get3A_583 = arith.constant 0 : index
    %get3A_584 = arith.constant 0 : index
    %get3A_585 = vector.load %arg1[%get3A_582, %get3A_583, %get3A_584] : memref<2x8x100xf32, #tpu.memory_space<vmem>>, vector<1x8x100xf32>
    %get3A_586 = vector.shape_cast %get3A_585 : vector<1x8x100xf32> to vector<8x100xf32>
    %dot_general3A_587 = arith.constant dense<0.000000e+00> : vector<8x480xf32>
    %dot_general3A_588 = tpu.matmul %get3A_586, %cos3A_581, %dot_general3A_587 {dimension_numbers = #tpu.dot_dimension_numbers<[1], [0], [0], [1], [0, 0, 1, 1], [], []>, transpose_lhs_hint = false} : vector<8x100xf32>, vector<100x480xf32>, vector<8x480xf32> -> vector<8x480xf32>
    %get3A_589 = arith.constant 1 : index
    %get3A_590 = arith.constant 0 : index
    %get3A_591 = arith.constant 0 : index
    %get3A_592 = vector.load %arg1[%get3A_589, %get3A_590, %get3A_591] : memref<2x8x100xf32, #tpu.memory_space<vmem>>, vector<1x8x100xf32>
    %get3A_593 = vector.shape_cast %get3A_592 : vector<1x8x100xf32> to vector<8x100xf32>
    %dot_general3A_594 = arith.constant dense<0.000000e+00> : vector<8x480xf32>
    %dot_general3A_595 = tpu.matmul %get3A_593, %cos3A_581, %dot_general3A_594 {dimension_numbers = #tpu.dot_dimension_numbers<[1], [0], [0], [1], [0, 0, 1, 1], [], []>, transpose_lhs_hint = false} : vector<8x100xf32>, vector<100x480xf32>, vector<8x480xf32> -> vector<8x480xf32>
    %neg3A_596 = arith.constant 0.000000e+00 : f32
    %neg3A_597 = vector.broadcast %neg3A_596 : f32 to vector<8x480xf32>
    %neg3A_598 = arith.subf %neg3A_597, %dot_general3A_588 : vector<8x480xf32>
    %add3A_599 = vector.broadcast %convert_element_type3A_571 : f32 to vector<8x480xf32>
    %add3A_600 = arith.addf %add3A_599, %neg3A_598 : vector<8x480xf32>
    %neg3A_601 = arith.constant 0.000000e+00 : f32
    %neg3A_602 = vector.broadcast %neg3A_601 : f32 to vector<8x480xf32>
    %neg3A_603 = arith.subf %neg3A_602, %dot_general3A_595 : vector<8x480xf32>
    %add3A_604 = arith.addf %convert_element_type3A_49, %neg3A_603 : vector<8x480xf32>
    %round3A_605 = math.roundeven %add3A_600 : vector<8x480xf32>
    %round3A_606 = math.roundeven %add3A_604 : vector<8x480xf32>
    %floor3A_607 = math.floor %add3A_600 : vector<8x480xf32>
    %sub3A_608 = arith.subf %add3A_600, %floor3A_607 : vector<8x480xf32>
    %floor3A_609 = math.floor %add3A_604 : vector<8x480xf32>
    %sub3A_610 = arith.subf %add3A_604, %floor3A_609 : vector<8x480xf32>
    %jit3A_611 = arith.constant 0 : i32
    %jit3A_612 = arith.constant 449 : i32
    %convert_element_type3A_613 = arith.sitofp %jit3A_611 : i32 to f32
    %max3A_614 = vector.broadcast %convert_element_type3A_613 : f32 to vector<8x480xf32>
    %max3A_615 = arith.maximumf %max3A_614, %round3A_605 : vector<8x480xf32>
    %convert_element_type3A_616 = arith.sitofp %jit3A_612 : i32 to f32
    %min3A_617 = vector.broadcast %convert_element_type3A_616 : f32 to vector<8x480xf32>
    %min3A_618 = arith.minimumf %min3A_617, %max3A_615 : vector<8x480xf32>
    %convert_element_type3A_619 = arith.fptosi %min3A_618 : vector<8x480xf32> to vector<8x480xi32>
    %add3A_620 = arith.constant 1.000000e+00 : f32
    %add3A_621 = vector.broadcast %add3A_620 : f32 to vector<8x480xf32>
    %add3A_622 = arith.addf %round3A_605, %add3A_621 : vector<8x480xf32>
    %jit3A_623 = arith.constant 0 : i32
    %jit3A_624 = arith.constant 449 : i32
    %convert_element_type3A_625 = arith.sitofp %jit3A_623 : i32 to f32
    %max3A_626 = vector.broadcast %convert_element_type3A_625 : f32 to vector<8x480xf32>
    %max3A_627 = arith.maximumf %max3A_626, %add3A_622 : vector<8x480xf32>
    %convert_element_type3A_628 = arith.sitofp %jit3A_624 : i32 to f32
    %min3A_629 = vector.broadcast %convert_element_type3A_628 : f32 to vector<8x480xf32>
    %min3A_630 = arith.minimumf %min3A_629, %max3A_627 : vector<8x480xf32>
    %convert_element_type3A_631 = arith.fptosi %min3A_630 : vector<8x480xf32> to vector<8x480xi32>
    %jit3A_632 = arith.constant 0 : i32
    %jit3A_633 = arith.constant 479 : i32
    %convert_element_type3A_634 = arith.sitofp %jit3A_632 : i32 to f32
    %max3A_635 = vector.broadcast %convert_element_type3A_634 : f32 to vector<8x480xf32>
    %max3A_636 = arith.maximumf %max3A_635, %round3A_606 : vector<8x480xf32>
    %convert_element_type3A_637 = arith.sitofp %jit3A_633 : i32 to f32
    %min3A_638 = vector.broadcast %convert_element_type3A_637 : f32 to vector<8x480xf32>
    %min3A_639 = arith.minimumf %min3A_638, %max3A_636 : vector<8x480xf32>
    %convert_element_type3A_640 = arith.fptosi %min3A_639 : vector<8x480xf32> to vector<8x480xi32>
    %add3A_641 = arith.constant 1.000000e+00 : f32
    %add3A_642 = vector.broadcast %add3A_641 : f32 to vector<8x480xf32>
    %add3A_643 = arith.addf %round3A_606, %add3A_642 : vector<8x480xf32>
    %jit3A_644 = arith.constant 0 : i32
    %jit3A_645 = arith.constant 479 : i32
    %convert_element_type3A_646 = arith.sitofp %jit3A_644 : i32 to f32
    %max3A_647 = vector.broadcast %convert_element_type3A_646 : f32 to vector<8x480xf32>
    %max3A_648 = arith.maximumf %max3A_647, %add3A_643 : vector<8x480xf32>
    %convert_element_type3A_649 = arith.sitofp %jit3A_645 : i32 to f32
    %min3A_650 = vector.broadcast %convert_element_type3A_649 : f32 to vector<8x480xf32>
    %min3A_651 = arith.minimumf %min3A_650, %max3A_648 : vector<8x480xf32>
    %convert_element_type3A_652 = arith.fptosi %min3A_651 : vector<8x480xf32> to vector<8x480xi32>
    %mul3A_653 = arith.constant 480 : i32
    %mul3A_654 = vector.broadcast %mul3A_653 : i32 to vector<8x480xi32>
    %mul3A_655 = arith.muli %convert_element_type3A_619, %mul3A_654 : vector<8x480xi32>
    %add3A_656 = arith.addi %mul3A_655, %convert_element_type3A_640 : vector<8x480xi32>
    %mul3A_657 = arith.constant 480 : i32
    %mul3A_658 = vector.broadcast %mul3A_657 : i32 to vector<8x480xi32>
    %mul3A_659 = arith.muli %convert_element_type3A_631, %mul3A_658 : vector<8x480xi32>
    %add3A_660 = arith.addi %mul3A_659, %convert_element_type3A_640 : vector<8x480xi32>
    %mul3A_661 = arith.constant 480 : i32
    %mul3A_662 = vector.broadcast %mul3A_661 : i32 to vector<8x480xi32>
    %mul3A_663 = arith.muli %convert_element_type3A_619, %mul3A_662 : vector<8x480xi32>
    %add3A_664 = arith.addi %mul3A_663, %convert_element_type3A_652 : vector<8x480xi32>
    %mul3A_665 = arith.constant 480 : i32
    %mul3A_666 = vector.broadcast %mul3A_665 : i32 to vector<8x480xi32>
    %mul3A_667 = arith.muli %convert_element_type3A_631, %mul3A_666 : vector<8x480xi32>
    %add3A_668 = arith.addi %mul3A_667, %convert_element_type3A_652 : vector<8x480xi32>
    %concatenate3A_669 = tpu.concatenate %add3A_656, %add3A_660, %add3A_664, %add3A_668 in 1 : vector<8x480xi32>, vector<8x480xi32>, vector<8x480xi32>, vector<8x480xi32> -> vector<8x1920xi32>
    %mul3A_670 = arith.mulf %sub3A_608, %sub3A_610 : vector<8x480xf32>
    %sub3A_671 = arith.constant 1.000000e+00 : f32
    %sub3A_672 = vector.broadcast %sub3A_671 : f32 to vector<8x480xf32>
    %sub3A_673 = arith.subf %sub3A_672, %sub3A_610 : vector<8x480xf32>
    %mul3A_674 = arith.mulf %sub3A_608, %sub3A_673 : vector<8x480xf32>
    %sub3A_675 = arith.constant 1.000000e+00 : f32
    %sub3A_676 = vector.broadcast %sub3A_675 : f32 to vector<8x480xf32>
    %sub3A_677 = arith.subf %sub3A_676, %sub3A_608 : vector<8x480xf32>
    %mul3A_678 = arith.mulf %sub3A_677, %sub3A_610 : vector<8x480xf32>
    %sub3A_679 = arith.constant 1.000000e+00 : f32
    %sub3A_680 = vector.broadcast %sub3A_679 : f32 to vector<8x480xf32>
    %sub3A_681 = arith.subf %sub3A_680, %sub3A_608 : vector<8x480xf32>
    %sub3A_682 = arith.constant 1.000000e+00 : f32
    %sub3A_683 = vector.broadcast %sub3A_682 : f32 to vector<8x480xf32>
    %sub3A_684 = arith.subf %sub3A_683, %sub3A_610 : vector<8x480xf32>
    %mul3A_685 = arith.mulf %sub3A_681, %sub3A_684 : vector<8x480xf32>
    %concatenate3A_686 = tpu.concatenate %mul3A_670, %mul3A_674, %mul3A_678, %mul3A_685 in 1 : vector<8x480xf32>, vector<8x480xf32>, vector<8x480xf32>, vector<8x480xf32> -> vector<8x1920xf32>
    %swap3A_687 = arith.constant 4 : index
    %swap3A_688 = arith.constant 0 : index
    %swap3A_689 = arith.constant 0 : index
    %swap3A_690 = vector.load %arg2[%swap3A_687, %swap3A_688, %swap3A_689] : memref<10x8x1920xi32, #tpu.memory_space<vmem>>, vector<1x8x1920xi32>
    %swap3A_691 = vector.shape_cast %swap3A_690 : vector<1x8x1920xi32> to vector<8x1920xi32>
    %swap3A_692 = vector.shape_cast %concatenate3A_669 : vector<8x1920xi32> to vector<1x8x1920xi32>
    tpu.vector_store %arg2[%swap3A_687, %swap3A_688, %swap3A_689], %swap3A_692 {strides = array<i32>} : memref<10x8x1920xi32, #tpu.memory_space<vmem>>, vector<1x8x1920xi32>,
    %swap3A_693 = arith.constant 4 : index
    %swap3A_694 = arith.constant 0 : index
    %swap3A_695 = arith.constant 0 : index
    %swap3A_696 = vector.load %arg3[%swap3A_693, %swap3A_694, %swap3A_695] : memref<10x8x1920xf32, #tpu.memory_space<vmem>>, vector<1x8x1920xf32>
    %swap3A_697 = vector.shape_cast %swap3A_696 : vector<1x8x1920xf32> to vector<8x1920xf32>
    %swap3A_698 = vector.shape_cast %concatenate3A_686 : vector<8x1920xf32> to vector<1x8x1920xf32>
    tpu.vector_store %arg3[%swap3A_693, %swap3A_694, %swap3A_695], %swap3A_698 {strides = array<i32>} : memref<10x8x1920xf32, #tpu.memory_space<vmem>>, vector<1x8x1920xf32>,
    %mul3A_699 = arith.constant 10 : i32
    %mul3A_700 = arith.muli %arg0, %mul3A_699 : i32
    %add3A_701 = arith.constant 5 : i32
    %add3A_702 = arith.addi %mul3A_700, %add3A_701 : i32
    %convert_element_type3A_703 = arith.sitofp %add3A_702 : i32 to f32
    %div3A_704 = arith.constant 4.500000e+02 : f32
    %div3A_705 = arith.divf %convert_element_type3A_703, %div3A_704 : f32
    %mul3A_706 = vector.broadcast %div3A_705 : f32 to vector<100x480xf32>
    %mul3A_707 = arith.mulf %convert_element_type3A, %mul3A_706 : vector<100x480xf32>
    %mul3A_708 = arith.mulf %convert_element_type3A_42, %div3A_47 : vector<100x480xf32>
    %add3A_709 = arith.addf %mul3A_707, %mul3A_708 : vector<100x480xf32>
    %mul3A_710 = arith.constant 6.28318548 : f32
    %mul3A_711 = vector.broadcast %mul3A_710 : f32 to vector<100x480xf32>
    %mul3A_712 = arith.mulf %mul3A_711, %add3A_709 : vector<100x480xf32>
    %cos3A_713 = math.cos %mul3A_712 : vector<100x480xf32>
    %get3A_714 = arith.constant 0 : index
    %get3A_715 = arith.constant 0 : index
    %get3A_716 = arith.constant 0 : index
    %get3A_717 = vector.load %arg1[%get3A_714, %get3A_715, %get3A_716] : memref<2x8x100xf32, #tpu.memory_space<vmem>>, vector<1x8x100xf32>
    %get3A_718 = vector.shape_cast %get3A_717 : vector<1x8x100xf32> to vector<8x100xf32>
    %dot_general3A_719 = arith.constant dense<0.000000e+00> : vector<8x480xf32>
    %dot_general3A_720 = tpu.matmul %get3A_718, %cos3A_713, %dot_general3A_719 {dimension_numbers = #tpu.dot_dimension_numbers<[1], [0], [0], [1], [0, 0, 1, 1], [], []>, transpose_lhs_hint = false} : vector<8x100xf32>, vector<100x480xf32>, vector<8x480xf32> -> vector<8x480xf32>
    %get3A_721 = arith.constant 1 : index
    %get3A_722 = arith.constant 0 : index
    %get3A_723 = arith.constant 0 : index
    %get3A_724 = vector.load %arg1[%get3A_721, %get3A_722, %get3A_723] : memref<2x8x100xf32, #tpu.memory_space<vmem>>, vector<1x8x100xf32>
    %get3A_725 = vector.shape_cast %get3A_724 : vector<1x8x100xf32> to vector<8x100xf32>
    %dot_general3A_726 = arith.constant dense<0.000000e+00> : vector<8x480xf32>
    %dot_general3A_727 = tpu.matmul %get3A_725, %cos3A_713, %dot_general3A_726 {dimension_numbers = #tpu.dot_dimension_numbers<[1], [0], [0], [1], [0, 0, 1, 1], [], []>, transpose_lhs_hint = false} : vector<8x100xf32>, vector<100x480xf32>, vector<8x480xf32> -> vector<8x480xf32>
    %neg3A_728 = arith.constant 0.000000e+00 : f32
    %neg3A_729 = vector.broadcast %neg3A_728 : f32 to vector<8x480xf32>
    %neg3A_730 = arith.subf %neg3A_729, %dot_general3A_720 : vector<8x480xf32>
    %add3A_731 = vector.broadcast %convert_element_type3A_703 : f32 to vector<8x480xf32>
    %add3A_732 = arith.addf %add3A_731, %neg3A_730 : vector<8x480xf32>
    %neg3A_733 = arith.constant 0.000000e+00 : f32
    %neg3A_734 = vector.broadcast %neg3A_733 : f32 to vector<8x480xf32>
    %neg3A_735 = arith.subf %neg3A_734, %dot_general3A_727 : vector<8x480xf32>
    %add3A_736 = arith.addf %convert_element_type3A_49, %neg3A_735 : vector<8x480xf32>
    %round3A_737 = math.roundeven %add3A_732 : vector<8x480xf32>
    %round3A_738 = math.roundeven %add3A_736 : vector<8x480xf32>
    %floor3A_739 = math.floor %add3A_732 : vector<8x480xf32>
    %sub3A_740 = arith.subf %add3A_732, %floor3A_739 : vector<8x480xf32>
    %floor3A_741 = math.floor %add3A_736 : vector<8x480xf32>
    %sub3A_742 = arith.subf %add3A_736, %floor3A_741 : vector<8x480xf32>
    %jit3A_743 = arith.constant 0 : i32
    %jit3A_744 = arith.constant 449 : i32
    %convert_element_type3A_745 = arith.sitofp %jit3A_743 : i32 to f32
    %max3A_746 = vector.broadcast %convert_element_type3A_745 : f32 to vector<8x480xf32>
    %max3A_747 = arith.maximumf %max3A_746, %round3A_737 : vector<8x480xf32>
    %convert_element_type3A_748 = arith.sitofp %jit3A_744 : i32 to f32
    %min3A_749 = vector.broadcast %convert_element_type3A_748 : f32 to vector<8x480xf32>
    %min3A_750 = arith.minimumf %min3A_749, %max3A_747 : vector<8x480xf32>
    %convert_element_type3A_751 = arith.fptosi %min3A_750 : vector<8x480xf32> to vector<8x480xi32>
    %add3A_752 = arith.constant 1.000000e+00 : f32
    %add3A_753 = vector.broadcast %add3A_752 : f32 to vector<8x480xf32>
    %add3A_754 = arith.addf %round3A_737, %add3A_753 : vector<8x480xf32>
    %jit3A_755 = arith.constant 0 : i32
    %jit3A_756 = arith.constant 449 : i32
    %convert_element_type3A_757 = arith.sitofp %jit3A_755 : i32 to f32
    %max3A_758 = vector.broadcast %convert_element_type3A_757 : f32 to vector<8x480xf32>
    %max3A_759 = arith.maximumf %max3A_758, %add3A_754 : vector<8x480xf32>
    %convert_element_type3A_760 = arith.sitofp %jit3A_756 : i32 to f32
    %min3A_761 = vector.broadcast %convert_element_type3A_760 : f32 to vector<8x480xf32>
    %min3A_762 = arith.minimumf %min3A_761, %max3A_759 : vector<8x480xf32>
    %convert_element_type3A_763 = arith.fptosi %min3A_762 : vector<8x480xf32> to vector<8x480xi32>
    %jit3A_764 = arith.constant 0 : i32
    %jit3A_765 = arith.constant 479 : i32
    %convert_element_type3A_766 = arith.sitofp %jit3A_764 : i32 to f32
    %max3A_767 = vector.broadcast %convert_element_type3A_766 : f32 to vector<8x480xf32>
    %max3A_768 = arith.maximumf %max3A_767, %round3A_738 : vector<8x480xf32>
    %convert_element_type3A_769 = arith.sitofp %jit3A_765 : i32 to f32
    %min3A_770 = vector.broadcast %convert_element_type3A_769 : f32 to vector<8x480xf32>
    %min3A_771 = arith.minimumf %min3A_770, %max3A_768 : vector<8x480xf32>
    %convert_element_type3A_772 = arith.fptosi %min3A_771 : vector<8x480xf32> to vector<8x480xi32>
    %add3A_773 = arith.constant 1.000000e+00 : f32
    %add3A_774 = vector.broadcast %add3A_773 : f32 to vector<8x480xf32>
    %add3A_775 = arith.addf %round3A_738, %add3A_774 : vector<8x480xf32>
    %jit3A_776 = arith.constant 0 : i32
    %jit3A_777 = arith.constant 479 : i32
    %convert_element_type3A_778 = arith.sitofp %jit3A_776 : i32 to f32
    %max3A_779 = vector.broadcast %convert_element_type3A_778 : f32 to vector<8x480xf32>
    %max3A_780 = arith.maximumf %max3A_779, %add3A_775 : vector<8x480xf32>
    %convert_element_type3A_781 = arith.sitofp %jit3A_777 : i32 to f32
    %min3A_782 = vector.broadcast %convert_element_type3A_781 : f32 to vector<8x480xf32>
    %min3A_783 = arith.minimumf %min3A_782, %max3A_780 : vector<8x480xf32>
    %convert_element_type3A_784 = arith.fptosi %min3A_783 : vector<8x480xf32> to vector<8x480xi32>
    %mul3A_785 = arith.constant 480 : i32
    %mul3A_786 = vector.broadcast %mul3A_785 : i32 to vector<8x480xi32>
    %mul3A_787 = arith.muli %convert_element_type3A_751, %mul3A_786 : vector<8x480xi32>
    %add3A_788 = arith.addi %mul3A_787, %convert_element_type3A_772 : vector<8x480xi32>
    %mul3A_789 = arith.constant 480 : i32
    %mul3A_790 = vector.broadcast %mul3A_789 : i32 to vector<8x480xi32>
    %mul3A_791 = arith.muli %convert_element_type3A_763, %mul3A_790 : vector<8x480xi32>
    %add3A_792 = arith.addi %mul3A_791, %convert_element_type3A_772 : vector<8x480xi32>
    %mul3A_793 = arith.constant 480 : i32
    %mul3A_794 = vector.broadcast %mul3A_793 : i32 to vector<8x480xi32>
    %mul3A_795 = arith.muli %convert_element_type3A_751, %mul3A_794 : vector<8x480xi32>
    %add3A_796 = arith.addi %mul3A_795, %convert_element_type3A_784 : vector<8x480xi32>
    %mul3A_797 = arith.constant 480 : i32
    %mul3A_798 = vector.broadcast %mul3A_797 : i32 to vector<8x480xi32>
    %mul3A_799 = arith.muli %convert_element_type3A_763, %mul3A_798 : vector<8x480xi32>
    %add3A_800 = arith.addi %mul3A_799, %convert_element_type3A_784 : vector<8x480xi32>
    %concatenate3A_801 = tpu.concatenate %add3A_788, %add3A_792, %add3A_796, %add3A_800 in 1 : vector<8x480xi32>, vector<8x480xi32>, vector<8x480xi32>, vector<8x480xi32> -> vector<8x1920xi32>
    %mul3A_802 = arith.mulf %sub3A_740, %sub3A_742 : vector<8x480xf32>
    %sub3A_803 = arith.constant 1.000000e+00 : f32
    %sub3A_804 = vector.broadcast %sub3A_803 : f32 to vector<8x480xf32>
    %sub3A_805 = arith.subf %sub3A_804, %sub3A_742 : vector<8x480xf32>
    %mul3A_806 = arith.mulf %sub3A_740, %sub3A_805 : vector<8x480xf32>
    %sub3A_807 = arith.constant 1.000000e+00 : f32
    %sub3A_808 = vector.broadcast %sub3A_807 : f32 to vector<8x480xf32>
    %sub3A_809 = arith.subf %sub3A_808, %sub3A_740 : vector<8x480xf32>
    %mul3A_810 = arith.mulf %sub3A_809, %sub3A_742 : vector<8x480xf32>
    %sub3A_811 = arith.constant 1.000000e+00 : f32
    %sub3A_812 = vector.broadcast %sub3A_811 : f32 to vector<8x480xf32>
    %sub3A_813 = arith.subf %sub3A_812, %sub3A_740 : vector<8x480xf32>
    %sub3A_814 = arith.constant 1.000000e+00 : f32
    %sub3A_815 = vector.broadcast %sub3A_814 : f32 to vector<8x480xf32>
    %sub3A_816 = arith.subf %sub3A_815, %sub3A_742 : vector<8x480xf32>
    %mul3A_817 = arith.mulf %sub3A_813, %sub3A_816 : vector<8x480xf32>
    %concatenate3A_818 = tpu.concatenate %mul3A_802, %mul3A_806, %mul3A_810, %mul3A_817 in 1 : vector<8x480xf32>, vector<8x480xf32>, vector<8x480xf32>, vector<8x480xf32> -> vector<8x1920xf32>
    %swap3A_819 = arith.constant 5 : index
    %swap3A_820 = arith.constant 0 : index
    %swap3A_821 = arith.constant 0 : index
    %swap3A_822 = vector.load %arg2[%swap3A_819, %swap3A_820, %swap3A_821] : memref<10x8x1920xi32, #tpu.memory_space<vmem>>, vector<1x8x1920xi32>
    %swap3A_823 = vector.shape_cast %swap3A_822 : vector<1x8x1920xi32> to vector<8x1920xi32>
    %swap3A_824 = vector.shape_cast %concatenate3A_801 : vector<8x1920xi32> to vector<1x8x1920xi32>
    tpu.vector_store %arg2[%swap3A_819, %swap3A_820, %swap3A_821], %swap3A_824 {strides = array<i32>} : memref<10x8x1920xi32, #tpu.memory_space<vmem>>, vector<1x8x1920xi32>,
    %swap3A_825 = arith.constant 5 : index
    %swap3A_826 = arith.constant 0 : index
    %swap3A_827 = arith.constant 0 : index
    %swap3A_828 = vector.load %arg3[%swap3A_825, %swap3A_826, %swap3A_827] : memref<10x8x1920xf32, #tpu.memory_space<vmem>>, vector<1x8x1920xf32>
    %swap3A_829 = vector.shape_cast %swap3A_828 : vector<1x8x1920xf32> to vector<8x1920xf32>
    %swap3A_830 = vector.shape_cast %concatenate3A_818 : vector<8x1920xf32> to vector<1x8x1920xf32>
    tpu.vector_store %arg3[%swap3A_825, %swap3A_826, %swap3A_827], %swap3A_830 {strides = array<i32>} : memref<10x8x1920xf32, #tpu.memory_space<vmem>>, vector<1x8x1920xf32>,
    %mul3A_831 = arith.constant 10 : i32
    %mul3A_832 = arith.muli %arg0, %mul3A_831 : i32
    %add3A_833 = arith.constant 6 : i32
    %add3A_834 = arith.addi %mul3A_832, %add3A_833 : i32
    %convert_element_type3A_835 = arith.sitofp %add3A_834 : i32 to f32
    %div3A_836 = arith.constant 4.500000e+02 : f32
    %div3A_837 = arith.divf %convert_element_type3A_835, %div3A_836 : f32
    %mul3A_838 = vector.broadcast %div3A_837 : f32 to vector<100x480xf32>
    %mul3A_839 = arith.mulf %convert_element_type3A, %mul3A_838 : vector<100x480xf32>
    %mul3A_840 = arith.mulf %convert_element_type3A_42, %div3A_47 : vector<100x480xf32>
    %add3A_841 = arith.addf %mul3A_839, %mul3A_840 : vector<100x480xf32>
    %mul3A_842 = arith.constant 6.28318548 : f32
    %mul3A_843 = vector.broadcast %mul3A_842 : f32 to vector<100x480xf32>
    %mul3A_844 = arith.mulf %mul3A_843, %add3A_841 : vector<100x480xf32>
    %cos3A_845 = math.cos %mul3A_844 : vector<100x480xf32>
    %get3A_846 = arith.constant 0 : index
    %get3A_847 = arith.constant 0 : index
    %get3A_848 = arith.constant 0 : index
    %get3A_849 = vector.load %arg1[%get3A_846, %get3A_847, %get3A_848] : memref<2x8x100xf32, #tpu.memory_space<vmem>>, vector<1x8x100xf32>
    %get3A_850 = vector.shape_cast %get3A_849 : vector<1x8x100xf32> to vector<8x100xf32>
    %dot_general3A_851 = arith.constant dense<0.000000e+00> : vector<8x480xf32>
    %dot_general3A_852 = tpu.matmul %get3A_850, %cos3A_845, %dot_general3A_851 {dimension_numbers = #tpu.dot_dimension_numbers<[1], [0], [0], [1], [0, 0, 1, 1], [], []>, transpose_lhs_hint = false} : vector<8x100xf32>, vector<100x480xf32>, vector<8x480xf32> -> vector<8x480xf32>
    %get3A_853 = arith.constant 1 : index
    %get3A_854 = arith.constant 0 : index
    %get3A_855 = arith.constant 0 : index
    %get3A_856 = vector.load %arg1[%get3A_853, %get3A_854, %get3A_855] : memref<2x8x100xf32, #tpu.memory_space<vmem>>, vector<1x8x100xf32>
    %get3A_857 = vector.shape_cast %get3A_856 : vector<1x8x100xf32> to vector<8x100xf32>
    %dot_general3A_858 = arith.constant dense<0.000000e+00> : vector<8x480xf32>
    %dot_general3A_859 = tpu.matmul %get3A_857, %cos3A_845, %dot_general3A_858 {dimension_numbers = #tpu.dot_dimension_numbers<[1], [0], [0], [1], [0, 0, 1, 1], [], []>, transpose_lhs_hint = false} : vector<8x100xf32>, vector<100x480xf32>, vector<8x480xf32> -> vector<8x480xf32>
    %neg3A_860 = arith.constant 0.000000e+00 : f32
    %neg3A_861 = vector.broadcast %neg3A_860 : f32 to vector<8x480xf32>
    %neg3A_862 = arith.subf %neg3A_861, %dot_general3A_852 : vector<8x480xf32>
    %add3A_863 = vector.broadcast %convert_element_type3A_835 : f32 to vector<8x480xf32>
    %add3A_864 = arith.addf %add3A_863, %neg3A_862 : vector<8x480xf32>
    %neg3A_865 = arith.constant 0.000000e+00 : f32
    %neg3A_866 = vector.broadcast %neg3A_865 : f32 to vector<8x480xf32>
    %neg3A_867 = arith.subf %neg3A_866, %dot_general3A_859 : vector<8x480xf32>
    %add3A_868 = arith.addf %convert_element_type3A_49, %neg3A_867 : vector<8x480xf32>
    %round3A_869 = math.roundeven %add3A_864 : vector<8x480xf32>
    %round3A_870 = math.roundeven %add3A_868 : vector<8x480xf32>
    %floor3A_871 = math.floor %add3A_864 : vector<8x480xf32>
    %sub3A_872 = arith.subf %add3A_864, %floor3A_871 : vector<8x480xf32>
    %floor3A_873 = math.floor %add3A_868 : vector<8x480xf32>
    %sub3A_874 = arith.subf %add3A_868, %floor3A_873 : vector<8x480xf32>
    %jit3A_875 = arith.constant 0 : i32
    %jit3A_876 = arith.constant 449 : i32
    %convert_element_type3A_877 = arith.sitofp %jit3A_875 : i32 to f32
    %max3A_878 = vector.broadcast %convert_element_type3A_877 : f32 to vector<8x480xf32>
    %max3A_879 = arith.maximumf %max3A_878, %round3A_869 : vector<8x480xf32>
    %convert_element_type3A_880 = arith.sitofp %jit3A_876 : i32 to f32
    %min3A_881 = vector.broadcast %convert_element_type3A_880 : f32 to vector<8x480xf32>
    %min3A_882 = arith.minimumf %min3A_881, %max3A_879 : vector<8x480xf32>
    %convert_element_type3A_883 = arith.fptosi %min3A_882 : vector<8x480xf32> to vector<8x480xi32>
    %add3A_884 = arith.constant 1.000000e+00 : f32
    %add3A_885 = vector.broadcast %add3A_884 : f32 to vector<8x480xf32>
    %add3A_886 = arith.addf %round3A_869, %add3A_885 : vector<8x480xf32>
    %jit3A_887 = arith.constant 0 : i32
    %jit3A_888 = arith.constant 449 : i32
    %convert_element_type3A_889 = arith.sitofp %jit3A_887 : i32 to f32
    %max3A_890 = vector.broadcast %convert_element_type3A_889 : f32 to vector<8x480xf32>
    %max3A_891 = arith.maximumf %max3A_890, %add3A_886 : vector<8x480xf32>
    %convert_element_type3A_892 = arith.sitofp %jit3A_888 : i32 to f32
    %min3A_893 = vector.broadcast %convert_element_type3A_892 : f32 to vector<8x480xf32>
    %min3A_894 = arith.minimumf %min3A_893, %max3A_891 : vector<8x480xf32>
    %convert_element_type3A_895 = arith.fptosi %min3A_894 : vector<8x480xf32> to vector<8x480xi32>
    %jit3A_896 = arith.constant 0 : i32
    %jit3A_897 = arith.constant 479 : i32
    %convert_element_type3A_898 = arith.sitofp %jit3A_896 : i32 to f32
    %max3A_899 = vector.broadcast %convert_element_type3A_898 : f32 to vector<8x480xf32>
    %max3A_900 = arith.maximumf %max3A_899, %round3A_870 : vector<8x480xf32>
    %convert_element_type3A_901 = arith.sitofp %jit3A_897 : i32 to f32
    %min3A_902 = vector.broadcast %convert_element_type3A_901 : f32 to vector<8x480xf32>
    %min3A_903 = arith.minimumf %min3A_902, %max3A_900 : vector<8x480xf32>
    %convert_element_type3A_904 = arith.fptosi %min3A_903 : vector<8x480xf32> to vector<8x480xi32>
    %add3A_905 = arith.constant 1.000000e+00 : f32
    %add3A_906 = vector.broadcast %add3A_905 : f32 to vector<8x480xf32>
    %add3A_907 = arith.addf %round3A_870, %add3A_906 : vector<8x480xf32>
    %jit3A_908 = arith.constant 0 : i32
    %jit3A_909 = arith.constant 479 : i32
    %convert_element_type3A_910 = arith.sitofp %jit3A_908 : i32 to f32
    %max3A_911 = vector.broadcast %convert_element_type3A_910 : f32 to vector<8x480xf32>
    %max3A_912 = arith.maximumf %max3A_911, %add3A_907 : vector<8x480xf32>
    %convert_element_type3A_913 = arith.sitofp %jit3A_909 : i32 to f32
    %min3A_914 = vector.broadcast %convert_element_type3A_913 : f32 to vector<8x480xf32>
    %min3A_915 = arith.minimumf %min3A_914, %max3A_912 : vector<8x480xf32>
    %convert_element_type3A_916 = arith.fptosi %min3A_915 : vector<8x480xf32> to vector<8x480xi32>
    %mul3A_917 = arith.constant 480 : i32
    %mul3A_918 = vector.broadcast %mul3A_917 : i32 to vector<8x480xi32>
    %mul3A_919 = arith.muli %convert_element_type3A_883, %mul3A_918 : vector<8x480xi32>
    %add3A_920 = arith.addi %mul3A_919, %convert_element_type3A_904 : vector<8x480xi32>
    %mul3A_921 = arith.constant 480 : i32
    %mul3A_922 = vector.broadcast %mul3A_921 : i32 to vector<8x480xi32>
    %mul3A_923 = arith.muli %convert_element_type3A_895, %mul3A_922 : vector<8x480xi32>
    %add3A_924 = arith.addi %mul3A_923, %convert_element_type3A_904 : vector<8x480xi32>
    %mul3A_925 = arith.constant 480 : i32
    %mul3A_926 = vector.broadcast %mul3A_925 : i32 to vector<8x480xi32>
    %mul3A_927 = arith.muli %convert_element_type3A_883, %mul3A_926 : vector<8x480xi32>
    %add3A_928 = arith.addi %mul3A_927, %convert_element_type3A_916 : vector<8x480xi32>
    %mul3A_929 = arith.constant 480 : i32
    %mul3A_930 = vector.broadcast %mul3A_929 : i32 to vector<8x480xi32>
    %mul3A_931 = arith.muli %convert_element_type3A_895, %mul3A_930 : vector<8x480xi32>
    %add3A_932 = arith.addi %mul3A_931, %convert_element_type3A_916 : vector<8x480xi32>
    %concatenate3A_933 = tpu.concatenate %add3A_920, %add3A_924, %add3A_928, %add3A_932 in 1 : vector<8x480xi32>, vector<8x480xi32>, vector<8x480xi32>, vector<8x480xi32> -> vector<8x1920xi32>
    %mul3A_934 = arith.mulf %sub3A_872, %sub3A_874 : vector<8x480xf32>
    %sub3A_935 = arith.constant 1.000000e+00 : f32
    %sub3A_936 = vector.broadcast %sub3A_935 : f32 to vector<8x480xf32>
    %sub3A_937 = arith.subf %sub3A_936, %sub3A_874 : vector<8x480xf32>
    %mul3A_938 = arith.mulf %sub3A_872, %sub3A_937 : vector<8x480xf32>
    %sub3A_939 = arith.constant 1.000000e+00 : f32
    %sub3A_940 = vector.broadcast %sub3A_939 : f32 to vector<8x480xf32>
    %sub3A_941 = arith.subf %sub3A_940, %sub3A_872 : vector<8x480xf32>
    %mul3A_942 = arith.mulf %sub3A_941, %sub3A_874 : vector<8x480xf32>
    %sub3A_943 = arith.constant 1.000000e+00 : f32
    %sub3A_944 = vector.broadcast %sub3A_943 : f32 to vector<8x480xf32>
    %sub3A_945 = arith.subf %sub3A_944, %sub3A_872 : vector<8x480xf32>
    %sub3A_946 = arith.constant 1.000000e+00 : f32
    %sub3A_947 = vector.broadcast %sub3A_946 : f32 to vector<8x480xf32>
    %sub3A_948 = arith.subf %sub3A_947, %sub3A_874 : vector<8x480xf32>
    %mul3A_949 = arith.mulf %sub3A_945, %sub3A_948 : vector<8x480xf32>
    %concatenate3A_950 = tpu.concatenate %mul3A_934, %mul3A_938, %mul3A_942, %mul3A_949 in 1 : vector<8x480xf32>, vector<8x480xf32>, vector<8x480xf32>, vector<8x480xf32> -> vector<8x1920xf32>
    %swap3A_951 = arith.constant 6 : index
    %swap3A_952 = arith.constant 0 : index
    %swap3A_953 = arith.constant 0 : index
    %swap3A_954 = vector.load %arg2[%swap3A_951, %swap3A_952, %swap3A_953] : memref<10x8x1920xi32, #tpu.memory_space<vmem>>, vector<1x8x1920xi32>
    %swap3A_955 = vector.shape_cast %swap3A_954 : vector<1x8x1920xi32> to vector<8x1920xi32>
    %swap3A_956 = vector.shape_cast %concatenate3A_933 : vector<8x1920xi32> to vector<1x8x1920xi32>
    tpu.vector_store %arg2[%swap3A_951, %swap3A_952, %swap3A_953], %swap3A_956 {strides = array<i32>} : memref<10x8x1920xi32, #tpu.memory_space<vmem>>, vector<1x8x1920xi32>,
    %swap3A_957 = arith.constant 6 : index
    %swap3A_958 = arith.constant 0 : index
    %swap3A_959 = arith.constant 0 : index
    %swap3A_960 = vector.load %arg3[%swap3A_957, %swap3A_958, %swap3A_959] : memref<10x8x1920xf32, #tpu.memory_space<vmem>>, vector<1x8x1920xf32>
    %swap3A_961 = vector.shape_cast %swap3A_960 : vector<1x8x1920xf32> to vector<8x1920xf32>
    %swap3A_962 = vector.shape_cast %concatenate3A_950 : vector<8x1920xf32> to vector<1x8x1920xf32>
    tpu.vector_store %arg3[%swap3A_957, %swap3A_958, %swap3A_959], %swap3A_962 {strides = array<i32>} : memref<10x8x1920xf32, #tpu.memory_space<vmem>>, vector<1x8x1920xf32>,
    %mul3A_963 = arith.constant 10 : i32
    %mul3A_964 = arith.muli %arg0, %mul3A_963 : i32
    %add3A_965 = arith.constant 7 : i32
    %add3A_966 = arith.addi %mul3A_964, %add3A_965 : i32
    %convert_element_type3A_967 = arith.sitofp %add3A_966 : i32 to f32
    %div3A_968 = arith.constant 4.500000e+02 : f32
    %div3A_969 = arith.divf %convert_element_type3A_967, %div3A_968 : f32
    %mul3A_970 = vector.broadcast %div3A_969 : f32 to vector<100x480xf32>
    %mul3A_971 = arith.mulf %convert_element_type3A, %mul3A_970 : vector<100x480xf32>
    %mul3A_972 = arith.mulf %convert_element_type3A_42, %div3A_47 : vector<100x480xf32>
    %add3A_973 = arith.addf %mul3A_971, %mul3A_972 : vector<100x480xf32>
    %mul3A_974 = arith.constant 6.28318548 : f32
    %mul3A_975 = vector.broadcast %mul3A_974 : f32 to vector<100x480xf32>
    %mul3A_976 = arith.mulf %mul3A_975, %add3A_973 : vector<100x480xf32>
    %cos3A_977 = math.cos %mul3A_976 : vector<100x480xf32>
    %get3A_978 = arith.constant 0 : index
    %get3A_979 = arith.constant 0 : index
    %get3A_980 = arith.constant 0 : index
    %get3A_981 = vector.load %arg1[%get3A_978, %get3A_979, %get3A_980] : memref<2x8x100xf32, #tpu.memory_space<vmem>>, vector<1x8x100xf32>
    %get3A_982 = vector.shape_cast %get3A_981 : vector<1x8x100xf32> to vector<8x100xf32>
    %dot_general3A_983 = arith.constant dense<0.000000e+00> : vector<8x480xf32>
    %dot_general3A_984 = tpu.matmul %get3A_982, %cos3A_977, %dot_general3A_983 {dimension_numbers = #tpu.dot_dimension_numbers<[1], [0], [0], [1], [0, 0, 1, 1], [], []>, transpose_lhs_hint = false} : vector<8x100xf32>, vector<100x480xf32>, vector<8x480xf32> -> vector<8x480xf32>
    %get3A_985 = arith.constant 1 : index
    %get3A_986 = arith.constant 0 : index
    %get3A_987 = arith.constant 0 : index
    %get3A_988 = vector.load %arg1[%get3A_985, %get3A_986, %get3A_987] : memref<2x8x100xf32, #tpu.memory_space<vmem>>, vector<1x8x100xf32>
    %get3A_989 = vector.shape_cast %get3A_988 : vector<1x8x100xf32> to vector<8x100xf32>
    %dot_general3A_990 = arith.constant dense<0.000000e+00> : vector<8x480xf32>
    %dot_general3A_991 = tpu.matmul %get3A_989, %cos3A_977, %dot_general3A_990 {dimension_numbers = #tpu.dot_dimension_numbers<[1], [0], [0], [1], [0, 0, 1, 1], [], []>, transpose_lhs_hint = false} : vector<8x100xf32>, vector<100x480xf32>, vector<8x480xf32> -> vector<8x480xf32>
    %neg3A_992 = arith.constant 0.000000e+00 : f32
    %neg3A_993 = vector.broadcast %neg3A_992 : f32 to vector<8x480xf32>
    %neg3A_994 = arith.subf %neg3A_993, %dot_general3A_984 : vector<8x480xf32>
    %add3A_995 = vector.broadcast %convert_element_type3A_967 : f32 to vector<8x480xf32>
    %add3A_996 = arith.addf %add3A_995, %neg3A_994 : vector<8x480xf32>
    %neg3A_997 = arith.constant 0.000000e+00 : f32
    %neg3A_998 = vector.broadcast %neg3A_997 : f32 to vector<8x480xf32>
    %neg3A_999 = arith.subf %neg3A_998, %dot_general3A_991 : vector<8x480xf32>
    %add3A_1000 = arith.addf %convert_element_type3A_49, %neg3A_999 : vector<8x480xf32>
    %round3A_1001 = math.roundeven %add3A_996 : vector<8x480xf32>
    %round3A_1002 = math.roundeven %add3A_1000 : vector<8x480xf32>
    %floor3A_1003 = math.floor %add3A_996 : vector<8x480xf32>
    %sub3A_1004 = arith.subf %add3A_996, %floor3A_1003 : vector<8x480xf32>
    %floor3A_1005 = math.floor %add3A_1000 : vector<8x480xf32>
    %sub3A_1006 = arith.subf %add3A_1000, %floor3A_1005 : vector<8x480xf32>
    %jit3A_1007 = arith.constant 0 : i32
    %jit3A_1008 = arith.constant 449 : i32
    %convert_element_type3A_1009 = arith.sitofp %jit3A_1007 : i32 to f32
    %max3A_1010 = vector.broadcast %convert_element_type3A_1009 : f32 to vector<8x480xf32>
    %max3A_1011 = arith.maximumf %max3A_1010, %round3A_1001 : vector<8x480xf32>
    %convert_element_type3A_1012 = arith.sitofp %jit3A_1008 : i32 to f32
    %min3A_1013 = vector.broadcast %convert_element_type3A_1012 : f32 to vector<8x480xf32>
    %min3A_1014 = arith.minimumf %min3A_1013, %max3A_1011 : vector<8x480xf32>
    %convert_element_type3A_1015 = arith.fptosi %min3A_1014 : vector<8x480xf32> to vector<8x480xi32>
    %add3A_1016 = arith.constant 1.000000e+00 : f32
    %add3A_1017 = vector.broadcast %add3A_1016 : f32 to vector<8x480xf32>
    %add3A_1018 = arith.addf %round3A_1001, %add3A_1017 : vector<8x480xf32>
    %jit3A_1019 = arith.constant 0 : i32
    %jit3A_1020 = arith.constant 449 : i32
    %convert_element_type3A_1021 = arith.sitofp %jit3A_1019 : i32 to f32
    %max3A_1022 = vector.broadcast %convert_element_type3A_1021 : f32 to vector<8x480xf32>
    %max3A_1023 = arith.maximumf %max3A_1022, %add3A_1018 : vector<8x480xf32>
    %convert_element_type3A_1024 = arith.sitofp %jit3A_1020 : i32 to f32
    %min3A_1025 = vector.broadcast %convert_element_type3A_1024 : f32 to vector<8x480xf32>
    %min3A_1026 = arith.minimumf %min3A_1025, %max3A_1023 : vector<8x480xf32>
    %convert_element_type3A_1027 = arith.fptosi %min3A_1026 : vector<8x480xf32> to vector<8x480xi32>
    %jit3A_1028 = arith.constant 0 : i32
    %jit3A_1029 = arith.constant 479 : i32
    %convert_element_type3A_1030 = arith.sitofp %jit3A_1028 : i32 to f32
    %max3A_1031 = vector.broadcast %convert_element_type3A_1030 : f32 to vector<8x480xf32>
    %max3A_1032 = arith.maximumf %max3A_1031, %round3A_1002 : vector<8x480xf32>
    %convert_element_type3A_1033 = arith.sitofp %jit3A_1029 : i32 to f32
    %min3A_1034 = vector.broadcast %convert_element_type3A_1033 : f32 to vector<8x480xf32>
    %min3A_1035 = arith.minimumf %min3A_1034, %max3A_1032 : vector<8x480xf32>
    %convert_element_type3A_1036 = arith.fptosi %min3A_1035 : vector<8x480xf32> to vector<8x480xi32>
    %add3A_1037 = arith.constant 1.000000e+00 : f32
    %add3A_1038 = vector.broadcast %add3A_1037 : f32 to vector<8x480xf32>
    %add3A_1039 = arith.addf %round3A_1002, %add3A_1038 : vector<8x480xf32>
    %jit3A_1040 = arith.constant 0 : i32
    %jit3A_1041 = arith.constant 479 : i32
    %convert_element_type3A_1042 = arith.sitofp %jit3A_1040 : i32 to f32
    %max3A_1043 = vector.broadcast %convert_element_type3A_1042 : f32 to vector<8x480xf32>
    %max3A_1044 = arith.maximumf %max3A_1043, %add3A_1039 : vector<8x480xf32>
    %convert_element_type3A_1045 = arith.sitofp %jit3A_1041 : i32 to f32
    %min3A_1046 = vector.broadcast %convert_element_type3A_1045 : f32 to vector<8x480xf32>
    %min3A_1047 = arith.minimumf %min3A_1046, %max3A_1044 : vector<8x480xf32>
    %convert_element_type3A_1048 = arith.fptosi %min3A_1047 : vector<8x480xf32> to vector<8x480xi32>
    %mul3A_1049 = arith.constant 480 : i32
    %mul3A_1050 = vector.broadcast %mul3A_1049 : i32 to vector<8x480xi32>
    %mul3A_1051 = arith.muli %convert_element_type3A_1015, %mul3A_1050 : vector<8x480xi32>
    %add3A_1052 = arith.addi %mul3A_1051, %convert_element_type3A_1036 : vector<8x480xi32>
    %mul3A_1053 = arith.constant 480 : i32
    %mul3A_1054 = vector.broadcast %mul3A_1053 : i32 to vector<8x480xi32>
    %mul3A_1055 = arith.muli %convert_element_type3A_1027, %mul3A_1054 : vector<8x480xi32>
    %add3A_1056 = arith.addi %mul3A_1055, %convert_element_type3A_1036 : vector<8x480xi32>
    %mul3A_1057 = arith.constant 480 : i32
    %mul3A_1058 = vector.broadcast %mul3A_1057 : i32 to vector<8x480xi32>
    %mul3A_1059 = arith.muli %convert_element_type3A_1015, %mul3A_1058 : vector<8x480xi32>
    %add3A_1060 = arith.addi %mul3A_1059, %convert_element_type3A_1048 : vector<8x480xi32>
    %mul3A_1061 = arith.constant 480 : i32
    %mul3A_1062 = vector.broadcast %mul3A_1061 : i32 to vector<8x480xi32>
    %mul3A_1063 = arith.muli %convert_element_type3A_1027, %mul3A_1062 : vector<8x480xi32>
    %add3A_1064 = arith.addi %mul3A_1063, %convert_element_type3A_1048 : vector<8x480xi32>
    %concatenate3A_1065 = tpu.concatenate %add3A_1052, %add3A_1056, %add3A_1060, %add3A_1064 in 1 : vector<8x480xi32>, vector<8x480xi32>, vector<8x480xi32>, vector<8x480xi32> -> vector<8x1920xi32>
    %mul3A_1066 = arith.mulf %sub3A_1004, %sub3A_1006 : vector<8x480xf32>
    %sub3A_1067 = arith.constant 1.000000e+00 : f32
    %sub3A_1068 = vector.broadcast %sub3A_1067 : f32 to vector<8x480xf32>
    %sub3A_1069 = arith.subf %sub3A_1068, %sub3A_1006 : vector<8x480xf32>
    %mul3A_1070 = arith.mulf %sub3A_1004, %sub3A_1069 : vector<8x480xf32>
    %sub3A_1071 = arith.constant 1.000000e+00 : f32
    %sub3A_1072 = vector.broadcast %sub3A_1071 : f32 to vector<8x480xf32>
    %sub3A_1073 = arith.subf %sub3A_1072, %sub3A_1004 : vector<8x480xf32>
    %mul3A_1074 = arith.mulf %sub3A_1073, %sub3A_1006 : vector<8x480xf32>
    %sub3A_1075 = arith.constant 1.000000e+00 : f32
    %sub3A_1076 = vector.broadcast %sub3A_1075 : f32 to vector<8x480xf32>
    %sub3A_1077 = arith.subf %sub3A_1076, %sub3A_1004 : vector<8x480xf32>
    %sub3A_1078 = arith.constant 1.000000e+00 : f32
    %sub3A_1079 = vector.broadcast %sub3A_1078 : f32 to vector<8x480xf32>
    %sub3A_1080 = arith.subf %sub3A_1079, %sub3A_1006 : vector<8x480xf32>
    %mul3A_1081 = arith.mulf %sub3A_1077, %sub3A_1080 : vector<8x480xf32>
    %concatenate3A_1082 = tpu.concatenate %mul3A_1066, %mul3A_1070, %mul3A_1074, %mul3A_1081 in 1 : vector<8x480xf32>, vector<8x480xf32>, vector<8x480xf32>, vector<8x480xf32> -> vector<8x1920xf32>
    %swap3A_1083 = arith.constant 7 : index
    %swap3A_1084 = arith.constant 0 : index
    %swap3A_1085 = arith.constant 0 : index
    %swap3A_1086 = vector.load %arg2[%swap3A_1083, %swap3A_1084, %swap3A_1085] : memref<10x8x1920xi32, #tpu.memory_space<vmem>>, vector<1x8x1920xi32>
    %swap3A_1087 = vector.shape_cast %swap3A_1086 : vector<1x8x1920xi32> to vector<8x1920xi32>
    %swap3A_1088 = vector.shape_cast %concatenate3A_1065 : vector<8x1920xi32> to vector<1x8x1920xi32>
    tpu.vector_store %arg2[%swap3A_1083, %swap3A_1084, %swap3A_1085], %swap3A_1088 {strides = array<i32>} : memref<10x8x1920xi32, #tpu.memory_space<vmem>>, vector<1x8x1920xi32>,
    %swap3A_1089 = arith.constant 7 : index
    %swap3A_1090 = arith.constant 0 : index
    %swap3A_1091 = arith.constant 0 : index
    %swap3A_1092 = vector.load %arg3[%swap3A_1089, %swap3A_1090, %swap3A_1091] : memref<10x8x1920xf32, #tpu.memory_space<vmem>>, vector<1x8x1920xf32>
    %swap3A_1093 = vector.shape_cast %swap3A_1092 : vector<1x8x1920xf32> to vector<8x1920xf32>
    %swap3A_1094 = vector.shape_cast %concatenate3A_1082 : vector<8x1920xf32> to vector<1x8x1920xf32>
    tpu.vector_store %arg3[%swap3A_1089, %swap3A_1090, %swap3A_1091], %swap3A_1094 {strides = array<i32>} : memref<10x8x1920xf32, #tpu.memory_space<vmem>>, vector<1x8x1920xf32>,
    %mul3A_1095 = arith.constant 10 : i32
    %mul3A_1096 = arith.muli %arg0, %mul3A_1095 : i32
    %add3A_1097 = arith.constant 8 : i32
    %add3A_1098 = arith.addi %mul3A_1096, %add3A_1097 : i32
    %convert_element_type3A_1099 = arith.sitofp %add3A_1098 : i32 to f32
    %div3A_1100 = arith.constant 4.500000e+02 : f32
    %div3A_1101 = arith.divf %convert_element_type3A_1099, %div3A_1100 : f32
    %mul3A_1102 = vector.broadcast %div3A_1101 : f32 to vector<100x480xf32>
    %mul3A_1103 = arith.mulf %convert_element_type3A, %mul3A_1102 : vector<100x480xf32>
    %mul3A_1104 = arith.mulf %convert_element_type3A_42, %div3A_47 : vector<100x480xf32>
    %add3A_1105 = arith.addf %mul3A_1103, %mul3A_1104 : vector<100x480xf32>
    %mul3A_1106 = arith.constant 6.28318548 : f32
    %mul3A_1107 = vector.broadcast %mul3A_1106 : f32 to vector<100x480xf32>
    %mul3A_1108 = arith.mulf %mul3A_1107, %add3A_1105 : vector<100x480xf32>
    %cos3A_1109 = math.cos %mul3A_1108 : vector<100x480xf32>
    %get3A_1110 = arith.constant 0 : index
    %get3A_1111 = arith.constant 0 : index
    %get3A_1112 = arith.constant 0 : index
    %get3A_1113 = vector.load %arg1[%get3A_1110, %get3A_1111, %get3A_1112] : memref<2x8x100xf32, #tpu.memory_space<vmem>>, vector<1x8x100xf32>
    %get3A_1114 = vector.shape_cast %get3A_1113 : vector<1x8x100xf32> to vector<8x100xf32>
    %dot_general3A_1115 = arith.constant dense<0.000000e+00> : vector<8x480xf32>
    %dot_general3A_1116 = tpu.matmul %get3A_1114, %cos3A_1109, %dot_general3A_1115 {dimension_numbers = #tpu.dot_dimension_numbers<[1], [0], [0], [1], [0, 0, 1, 1], [], []>, transpose_lhs_hint = false} : vector<8x100xf32>, vector<100x480xf32>, vector<8x480xf32> -> vector<8x480xf32>
    %get3A_1117 = arith.constant 1 : index
    %get3A_1118 = arith.constant 0 : index
    %get3A_1119 = arith.constant 0 : index
    %get3A_1120 = vector.load %arg1[%get3A_1117, %get3A_1118, %get3A_1119] : memref<2x8x100xf32, #tpu.memory_space<vmem>>, vector<1x8x100xf32>
    %get3A_1121 = vector.shape_cast %get3A_1120 : vector<1x8x100xf32> to vector<8x100xf32>
    %dot_general3A_1122 = arith.constant dense<0.000000e+00> : vector<8x480xf32>
    %dot_general3A_1123 = tpu.matmul %get3A_1121, %cos3A_1109, %dot_general3A_1122 {dimension_numbers = #tpu.dot_dimension_numbers<[1], [0], [0], [1], [0, 0, 1, 1], [], []>, transpose_lhs_hint = false} : vector<8x100xf32>, vector<100x480xf32>, vector<8x480xf32> -> vector<8x480xf32>
    %neg3A_1124 = arith.constant 0.000000e+00 : f32
    %neg3A_1125 = vector.broadcast %neg3A_1124 : f32 to vector<8x480xf32>
    %neg3A_1126 = arith.subf %neg3A_1125, %dot_general3A_1116 : vector<8x480xf32>
    %add3A_1127 = vector.broadcast %convert_element_type3A_1099 : f32 to vector<8x480xf32>
    %add3A_1128 = arith.addf %add3A_1127, %neg3A_1126 : vector<8x480xf32>
    %neg3A_1129 = arith.constant 0.000000e+00 : f32
    %neg3A_1130 = vector.broadcast %neg3A_1129 : f32 to vector<8x480xf32>
    %neg3A_1131 = arith.subf %neg3A_1130, %dot_general3A_1123 : vector<8x480xf32>
    %add3A_1132 = arith.addf %convert_element_type3A_49, %neg3A_1131 : vector<8x480xf32>
    %round3A_1133 = math.roundeven %add3A_1128 : vector<8x480xf32>
    %round3A_1134 = math.roundeven %add3A_1132 : vector<8x480xf32>
    %floor3A_1135 = math.floor %add3A_1128 : vector<8x480xf32>
    %sub3A_1136 = arith.subf %add3A_1128, %floor3A_1135 : vector<8x480xf32>
    %floor3A_1137 = math.floor %add3A_1132 : vector<8x480xf32>
    %sub3A_1138 = arith.subf %add3A_1132, %floor3A_1137 : vector<8x480xf32>
    %jit3A_1139 = arith.constant 0 : i32
    %jit3A_1140 = arith.constant 449 : i32
    %convert_element_type3A_1141 = arith.sitofp %jit3A_1139 : i32 to f32
    %max3A_1142 = vector.broadcast %convert_element_type3A_1141 : f32 to vector<8x480xf32>
    %max3A_1143 = arith.maximumf %max3A_1142, %round3A_1133 : vector<8x480xf32>
    %convert_element_type3A_1144 = arith.sitofp %jit3A_1140 : i32 to f32
    %min3A_1145 = vector.broadcast %convert_element_type3A_1144 : f32 to vector<8x480xf32>
    %min3A_1146 = arith.minimumf %min3A_1145, %max3A_1143 : vector<8x480xf32>
    %convert_element_type3A_1147 = arith.fptosi %min3A_1146 : vector<8x480xf32> to vector<8x480xi32>
    %add3A_1148 = arith.constant 1.000000e+00 : f32
    %add3A_1149 = vector.broadcast %add3A_1148 : f32 to vector<8x480xf32>
    %add3A_1150 = arith.addf %round3A_1133, %add3A_1149 : vector<8x480xf32>
    %jit3A_1151 = arith.constant 0 : i32
    %jit3A_1152 = arith.constant 449 : i32
    %convert_element_type3A_1153 = arith.sitofp %jit3A_1151 : i32 to f32
    %max3A_1154 = vector.broadcast %convert_element_type3A_1153 : f32 to vector<8x480xf32>
    %max3A_1155 = arith.maximumf %max3A_1154, %add3A_1150 : vector<8x480xf32>
    %convert_element_type3A_1156 = arith.sitofp %jit3A_1152 : i32 to f32
    %min3A_1157 = vector.broadcast %convert_element_type3A_1156 : f32 to vector<8x480xf32>
    %min3A_1158 = arith.minimumf %min3A_1157, %max3A_1155 : vector<8x480xf32>
    %convert_element_type3A_1159 = arith.fptosi %min3A_1158 : vector<8x480xf32> to vector<8x480xi32>
    %jit3A_1160 = arith.constant 0 : i32
    %jit3A_1161 = arith.constant 479 : i32
    %convert_element_type3A_1162 = arith.sitofp %jit3A_1160 : i32 to f32
    %max3A_1163 = vector.broadcast %convert_element_type3A_1162 : f32 to vector<8x480xf32>
    %max3A_1164 = arith.maximumf %max3A_1163, %round3A_1134 : vector<8x480xf32>
    %convert_element_type3A_1165 = arith.sitofp %jit3A_1161 : i32 to f32
    %min3A_1166 = vector.broadcast %convert_element_type3A_1165 : f32 to vector<8x480xf32>
    %min3A_1167 = arith.minimumf %min3A_1166, %max3A_1164 : vector<8x480xf32>
    %convert_element_type3A_1168 = arith.fptosi %min3A_1167 : vector<8x480xf32> to vector<8x480xi32>
    %add3A_1169 = arith.constant 1.000000e+00 : f32
    %add3A_1170 = vector.broadcast %add3A_1169 : f32 to vector<8x480xf32>
    %add3A_1171 = arith.addf %round3A_1134, %add3A_1170 : vector<8x480xf32>
    %jit3A_1172 = arith.constant 0 : i32
    %jit3A_1173 = arith.constant 479 : i32
    %convert_element_type3A_1174 = arith.sitofp %jit3A_1172 : i32 to f32
    %max3A_1175 = vector.broadcast %convert_element_type3A_1174 : f32 to vector<8x480xf32>
    %max3A_1176 = arith.maximumf %max3A_1175, %add3A_1171 : vector<8x480xf32>
    %convert_element_type3A_1177 = arith.sitofp %jit3A_1173 : i32 to f32
    %min3A_1178 = vector.broadcast %convert_element_type3A_1177 : f32 to vector<8x480xf32>
    %min3A_1179 = arith.minimumf %min3A_1178, %max3A_1176 : vector<8x480xf32>
    %convert_element_type3A_1180 = arith.fptosi %min3A_1179 : vector<8x480xf32> to vector<8x480xi32>
    %mul3A_1181 = arith.constant 480 : i32
    %mul3A_1182 = vector.broadcast %mul3A_1181 : i32 to vector<8x480xi32>
    %mul3A_1183 = arith.muli %convert_element_type3A_1147, %mul3A_1182 : vector<8x480xi32>
    %add3A_1184 = arith.addi %mul3A_1183, %convert_element_type3A_1168 : vector<8x480xi32>
    %mul3A_1185 = arith.constant 480 : i32
    %mul3A_1186 = vector.broadcast %mul3A_1185 : i32 to vector<8x480xi32>
    %mul3A_1187 = arith.muli %convert_element_type3A_1159, %mul3A_1186 : vector<8x480xi32>
    %add3A_1188 = arith.addi %mul3A_1187, %convert_element_type3A_1168 : vector<8x480xi32>
    %mul3A_1189 = arith.constant 480 : i32
    %mul3A_1190 = vector.broadcast %mul3A_1189 : i32 to vector<8x480xi32>
    %mul3A_1191 = arith.muli %convert_element_type3A_1147, %mul3A_1190 : vector<8x480xi32>
    %add3A_1192 = arith.addi %mul3A_1191, %convert_element_type3A_1180 : vector<8x480xi32>
    %mul3A_1193 = arith.constant 480 : i32
    %mul3A_1194 = vector.broadcast %mul3A_1193 : i32 to vector<8x480xi32>
    %mul3A_1195 = arith.muli %convert_element_type3A_1159, %mul3A_1194 : vector<8x480xi32>
    %add3A_1196 = arith.addi %mul3A_1195, %convert_element_type3A_1180 : vector<8x480xi32>
    %concatenate3A_1197 = tpu.concatenate %add3A_1184, %add3A_1188, %add3A_1192, %add3A_1196 in 1 : vector<8x480xi32>, vector<8x480xi32>, vector<8x480xi32>, vector<8x480xi32> -> vector<8x1920xi32>
    %mul3A_1198 = arith.mulf %sub3A_1136, %sub3A_1138 : vector<8x480xf32>
    %sub3A_1199 = arith.constant 1.000000e+00 : f32
    %sub3A_1200 = vector.broadcast %sub3A_1199 : f32 to vector<8x480xf32>
    %sub3A_1201 = arith.subf %sub3A_1200, %sub3A_1138 : vector<8x480xf32>
    %mul3A_1202 = arith.mulf %sub3A_1136, %sub3A_1201 : vector<8x480xf32>
    %sub3A_1203 = arith.constant 1.000000e+00 : f32
    %sub3A_1204 = vector.broadcast %sub3A_1203 : f32 to vector<8x480xf32>
    %sub3A_1205 = arith.subf %sub3A_1204, %sub3A_1136 : vector<8x480xf32>
    %mul3A_1206 = arith.mulf %sub3A_1205, %sub3A_1138 : vector<8x480xf32>
    %sub3A_1207 = arith.constant 1.000000e+00 : f32
    %sub3A_1208 = vector.broadcast %sub3A_1207 : f32 to vector<8x480xf32>
    %sub3A_1209 = arith.subf %sub3A_1208, %sub3A_1136 : vector<8x480xf32>
    %sub3A_1210 = arith.constant 1.000000e+00 : f32
    %sub3A_1211 = vector.broadcast %sub3A_1210 : f32 to vector<8x480xf32>
    %sub3A_1212 = arith.subf %sub3A_1211, %sub3A_1138 : vector<8x480xf32>
    %mul3A_1213 = arith.mulf %sub3A_1209, %sub3A_1212 : vector<8x480xf32>
    %concatenate3A_1214 = tpu.concatenate %mul3A_1198, %mul3A_1202, %mul3A_1206, %mul3A_1213 in 1 : vector<8x480xf32>, vector<8x480xf32>, vector<8x480xf32>, vector<8x480xf32> -> vector<8x1920xf32>
    %swap3A_1215 = arith.constant 8 : index
    %swap3A_1216 = arith.constant 0 : index
    %swap3A_1217 = arith.constant 0 : index
    %swap3A_1218 = vector.load %arg2[%swap3A_1215, %swap3A_1216, %swap3A_1217] : memref<10x8x1920xi32, #tpu.memory_space<vmem>>, vector<1x8x1920xi32>
    %swap3A_1219 = vector.shape_cast %swap3A_1218 : vector<1x8x1920xi32> to vector<8x1920xi32>
    %swap3A_1220 = vector.shape_cast %concatenate3A_1197 : vector<8x1920xi32> to vector<1x8x1920xi32>
    tpu.vector_store %arg2[%swap3A_1215, %swap3A_1216, %swap3A_1217], %swap3A_1220 {strides = array<i32>} : memref<10x8x1920xi32, #tpu.memory_space<vmem>>, vector<1x8x1920xi32>,
    %swap3A_1221 = arith.constant 8 : index
    %swap3A_1222 = arith.constant 0 : index
    %swap3A_1223 = arith.constant 0 : index
    %swap3A_1224 = vector.load %arg3[%swap3A_1221, %swap3A_1222, %swap3A_1223] : memref<10x8x1920xf32, #tpu.memory_space<vmem>>, vector<1x8x1920xf32>
    %swap3A_1225 = vector.shape_cast %swap3A_1224 : vector<1x8x1920xf32> to vector<8x1920xf32>
    %swap3A_1226 = vector.shape_cast %concatenate3A_1214 : vector<8x1920xf32> to vector<1x8x1920xf32>
    tpu.vector_store %arg3[%swap3A_1221, %swap3A_1222, %swap3A_1223], %swap3A_1226 {strides = array<i32>} : memref<10x8x1920xf32, #tpu.memory_space<vmem>>, vector<1x8x1920xf32>,
    %mul3A_1227 = arith.constant 10 : i32
    %mul3A_1228 = arith.muli %arg0, %mul3A_1227 : i32
    %add3A_1229 = arith.constant 9 : i32
    %add3A_1230 = arith.addi %mul3A_1228, %add3A_1229 : i32
    %convert_element_type3A_1231 = arith.sitofp %add3A_1230 : i32 to f32
    %div3A_1232 = arith.constant 4.500000e+02 : f32
    %div3A_1233 = arith.divf %convert_element_type3A_1231, %div3A_1232 : f32
    %mul3A_1234 = vector.broadcast %div3A_1233 : f32 to vector<100x480xf32>
    %mul3A_1235 = arith.mulf %convert_element_type3A, %mul3A_1234 : vector<100x480xf32>
    %mul3A_1236 = arith.mulf %convert_element_type3A_42, %div3A_47 : vector<100x480xf32>
    %add3A_1237 = arith.addf %mul3A_1235, %mul3A_1236 : vector<100x480xf32>
    %mul3A_1238 = arith.constant 6.28318548 : f32
    %mul3A_1239 = vector.broadcast %mul3A_1238 : f32 to vector<100x480xf32>
    %mul3A_1240 = arith.mulf %mul3A_1239, %add3A_1237 : vector<100x480xf32>
    %cos3A_1241 = math.cos %mul3A_1240 : vector<100x480xf32>
    %get3A_1242 = arith.constant 0 : index
    %get3A_1243 = arith.constant 0 : index
    %get3A_1244 = arith.constant 0 : index
    %get3A_1245 = vector.load %arg1[%get3A_1242, %get3A_1243, %get3A_1244] : memref<2x8x100xf32, #tpu.memory_space<vmem>>, vector<1x8x100xf32>
    %get3A_1246 = vector.shape_cast %get3A_1245 : vector<1x8x100xf32> to vector<8x100xf32>
    %dot_general3A_1247 = arith.constant dense<0.000000e+00> : vector<8x480xf32>
    %dot_general3A_1248 = tpu.matmul %get3A_1246, %cos3A_1241, %dot_general3A_1247 {dimension_numbers = #tpu.dot_dimension_numbers<[1], [0], [0], [1], [0, 0, 1, 1], [], []>, transpose_lhs_hint = false} : vector<8x100xf32>, vector<100x480xf32>, vector<8x480xf32> -> vector<8x480xf32>
    %get3A_1249 = arith.constant 1 : index
    %get3A_1250 = arith.constant 0 : index
    %get3A_1251 = arith.constant 0 : index
    %get3A_1252 = vector.load %arg1[%get3A_1249, %get3A_1250, %get3A_1251] : memref<2x8x100xf32, #tpu.memory_space<vmem>>, vector<1x8x100xf32>
    %get3A_1253 = vector.shape_cast %get3A_1252 : vector<1x8x100xf32> to vector<8x100xf32>
    %dot_general3A_1254 = arith.constant dense<0.000000e+00> : vector<8x480xf32>
    %dot_general3A_1255 = tpu.matmul %get3A_1253, %cos3A_1241, %dot_general3A_1254 {dimension_numbers = #tpu.dot_dimension_numbers<[1], [0], [0], [1], [0, 0, 1, 1], [], []>, transpose_lhs_hint = false} : vector<8x100xf32>, vector<100x480xf32>, vector<8x480xf32> -> vector<8x480xf32>
    %neg3A_1256 = arith.constant 0.000000e+00 : f32
    %neg3A_1257 = vector.broadcast %neg3A_1256 : f32 to vector<8x480xf32>
    %neg3A_1258 = arith.subf %neg3A_1257, %dot_general3A_1248 : vector<8x480xf32>
    %add3A_1259 = vector.broadcast %convert_element_type3A_1231 : f32 to vector<8x480xf32>
    %add3A_1260 = arith.addf %add3A_1259, %neg3A_1258 : vector<8x480xf32>
    %neg3A_1261 = arith.constant 0.000000e+00 : f32
    %neg3A_1262 = vector.broadcast %neg3A_1261 : f32 to vector<8x480xf32>
    %neg3A_1263 = arith.subf %neg3A_1262, %dot_general3A_1255 : vector<8x480xf32>
    %add3A_1264 = arith.addf %convert_element_type3A_49, %neg3A_1263 : vector<8x480xf32>
    %round3A_1265 = math.roundeven %add3A_1260 : vector<8x480xf32>
    %round3A_1266 = math.roundeven %add3A_1264 : vector<8x480xf32>
    %floor3A_1267 = math.floor %add3A_1260 : vector<8x480xf32>
    %sub3A_1268 = arith.subf %add3A_1260, %floor3A_1267 : vector<8x480xf32>
    %floor3A_1269 = math.floor %add3A_1264 : vector<8x480xf32>
    %sub3A_1270 = arith.subf %add3A_1264, %floor3A_1269 : vector<8x480xf32>
    %jit3A_1271 = arith.constant 0 : i32
    %jit3A_1272 = arith.constant 449 : i32
    %convert_element_type3A_1273 = arith.sitofp %jit3A_1271 : i32 to f32
    %max3A_1274 = vector.broadcast %convert_element_type3A_1273 : f32 to vector<8x480xf32>
    %max3A_1275 = arith.maximumf %max3A_1274, %round3A_1265 : vector<8x480xf32>
    %convert_element_type3A_1276 = arith.sitofp %jit3A_1272 : i32 to f32
    %min3A_1277 = vector.broadcast %convert_element_type3A_1276 : f32 to vector<8x480xf32>
    %min3A_1278 = arith.minimumf %min3A_1277, %max3A_1275 : vector<8x480xf32>
    %convert_element_type3A_1279 = arith.fptosi %min3A_1278 : vector<8x480xf32> to vector<8x480xi32>
    %add3A_1280 = arith.constant 1.000000e+00 : f32
    %add3A_1281 = vector.broadcast %add3A_1280 : f32 to vector<8x480xf32>
    %add3A_1282 = arith.addf %round3A_1265, %add3A_1281 : vector<8x480xf32>
    %jit3A_1283 = arith.constant 0 : i32
    %jit3A_1284 = arith.constant 449 : i32
    %convert_element_type3A_1285 = arith.sitofp %jit3A_1283 : i32 to f32
    %max3A_1286 = vector.broadcast %convert_element_type3A_1285 : f32 to vector<8x480xf32>
    %max3A_1287 = arith.maximumf %max3A_1286, %add3A_1282 : vector<8x480xf32>
    %convert_element_type3A_1288 = arith.sitofp %jit3A_1284 : i32 to f32
    %min3A_1289 = vector.broadcast %convert_element_type3A_1288 : f32 to vector<8x480xf32>
    %min3A_1290 = arith.minimumf %min3A_1289, %max3A_1287 : vector<8x480xf32>
    %convert_element_type3A_1291 = arith.fptosi %min3A_1290 : vector<8x480xf32> to vector<8x480xi32>
    %jit3A_1292 = arith.constant 0 : i32
    %jit3A_1293 = arith.constant 479 : i32
    %convert_element_type3A_1294 = arith.sitofp %jit3A_1292 : i32 to f32
    %max3A_1295 = vector.broadcast %convert_element_type3A_1294 : f32 to vector<8x480xf32>
    %max3A_1296 = arith.maximumf %max3A_1295, %round3A_1266 : vector<8x480xf32>
    %convert_element_type3A_1297 = arith.sitofp %jit3A_1293 : i32 to f32
    %min3A_1298 = vector.broadcast %convert_element_type3A_1297 : f32 to vector<8x480xf32>
    %min3A_1299 = arith.minimumf %min3A_1298, %max3A_1296 : vector<8x480xf32>
    %convert_element_type3A_1300 = arith.fptosi %min3A_1299 : vector<8x480xf32> to vector<8x480xi32>
    %add3A_1301 = arith.constant 1.000000e+00 : f32
    %add3A_1302 = vector.broadcast %add3A_1301 : f32 to vector<8x480xf32>
    %add3A_1303 = arith.addf %round3A_1266, %add3A_1302 : vector<8x480xf32>
    %jit3A_1304 = arith.constant 0 : i32
    %jit3A_1305 = arith.constant 479 : i32
    %convert_element_type3A_1306 = arith.sitofp %jit3A_1304 : i32 to f32
    %max3A_1307 = vector.broadcast %convert_element_type3A_1306 : f32 to vector<8x480xf32>
    %max3A_1308 = arith.maximumf %max3A_1307, %add3A_1303 : vector<8x480xf32>
    %convert_element_type3A_1309 = arith.sitofp %jit3A_1305 : i32 to f32
    %min3A_1310 = vector.broadcast %convert_element_type3A_1309 : f32 to vector<8x480xf32>
    %min3A_1311 = arith.minimumf %min3A_1310, %max3A_1308 : vector<8x480xf32>
    %convert_element_type3A_1312 = arith.fptosi %min3A_1311 : vector<8x480xf32> to vector<8x480xi32>
    %mul3A_1313 = arith.constant 480 : i32
    %mul3A_1314 = vector.broadcast %mul3A_1313 : i32 to vector<8x480xi32>
    %mul3A_1315 = arith.muli %convert_element_type3A_1279, %mul3A_1314 : vector<8x480xi32>
    %add3A_1316 = arith.addi %mul3A_1315, %convert_element_type3A_1300 : vector<8x480xi32>
    %mul3A_1317 = arith.constant 480 : i32
    %mul3A_1318 = vector.broadcast %mul3A_1317 : i32 to vector<8x480xi32>
    %mul3A_1319 = arith.muli %convert_element_type3A_1291, %mul3A_1318 : vector<8x480xi32>
    %add3A_1320 = arith.addi %mul3A_1319, %convert_element_type3A_1300 : vector<8x480xi32>
    %mul3A_1321 = arith.constant 480 : i32
    %mul3A_1322 = vector.broadcast %mul3A_1321 : i32 to vector<8x480xi32>
    %mul3A_1323 = arith.muli %convert_element_type3A_1279, %mul3A_1322 : vector<8x480xi32>
    %add3A_1324 = arith.addi %mul3A_1323, %convert_element_type3A_1312 : vector<8x480xi32>
    %mul3A_1325 = arith.constant 480 : i32
    %mul3A_1326 = vector.broadcast %mul3A_1325 : i32 to vector<8x480xi32>
    %mul3A_1327 = arith.muli %convert_element_type3A_1291, %mul3A_1326 : vector<8x480xi32>
    %add3A_1328 = arith.addi %mul3A_1327, %convert_element_type3A_1312 : vector<8x480xi32>
    %concatenate3A_1329 = tpu.concatenate %add3A_1316, %add3A_1320, %add3A_1324, %add3A_1328 in 1 : vector<8x480xi32>, vector<8x480xi32>, vector<8x480xi32>, vector<8x480xi32> -> vector<8x1920xi32>
    %mul3A_1330 = arith.mulf %sub3A_1268, %sub3A_1270 : vector<8x480xf32>
    %sub3A_1331 = arith.constant 1.000000e+00 : f32
    %sub3A_1332 = vector.broadcast %sub3A_1331 : f32 to vector<8x480xf32>
    %sub3A_1333 = arith.subf %sub3A_1332, %sub3A_1270 : vector<8x480xf32>
    %mul3A_1334 = arith.mulf %sub3A_1268, %sub3A_1333 : vector<8x480xf32>
    %sub3A_1335 = arith.constant 1.000000e+00 : f32
    %sub3A_1336 = vector.broadcast %sub3A_1335 : f32 to vector<8x480xf32>
    %sub3A_1337 = arith.subf %sub3A_1336, %sub3A_1268 : vector<8x480xf32>
    %mul3A_1338 = arith.mulf %sub3A_1337, %sub3A_1270 : vector<8x480xf32>
    %sub3A_1339 = arith.constant 1.000000e+00 : f32
    %sub3A_1340 = vector.broadcast %sub3A_1339 : f32 to vector<8x480xf32>
    %sub3A_1341 = arith.subf %sub3A_1340, %sub3A_1268 : vector<8x480xf32>
    %sub3A_1342 = arith.constant 1.000000e+00 : f32
    %sub3A_1343 = vector.broadcast %sub3A_1342 : f32 to vector<8x480xf32>
    %sub3A_1344 = arith.subf %sub3A_1343, %sub3A_1270 : vector<8x480xf32>
    %mul3A_1345 = arith.mulf %sub3A_1341, %sub3A_1344 : vector<8x480xf32>
    %concatenate3A_1346 = tpu.concatenate %mul3A_1330, %mul3A_1334, %mul3A_1338, %mul3A_1345 in 1 : vector<8x480xf32>, vector<8x480xf32>, vector<8x480xf32>, vector<8x480xf32> -> vector<8x1920xf32>
    %swap3A_1347 = arith.constant 9 : index
    %swap3A_1348 = arith.constant 0 : index
    %swap3A_1349 = arith.constant 0 : index
    %swap3A_1350 = vector.load %arg2[%swap3A_1347, %swap3A_1348, %swap3A_1349] : memref<10x8x1920xi32, #tpu.memory_space<vmem>>, vector<1x8x1920xi32>
    %swap3A_1351 = vector.shape_cast %swap3A_1350 : vector<1x8x1920xi32> to vector<8x1920xi32>
    %swap3A_1352 = vector.shape_cast %concatenate3A_1329 : vector<8x1920xi32> to vector<1x8x1920xi32>
    tpu.vector_store %arg2[%swap3A_1347, %swap3A_1348, %swap3A_1349], %swap3A_1352 {strides = array<i32>} : memref<10x8x1920xi32, #tpu.memory_space<vmem>>, vector<1x8x1920xi32>,
    %swap3A_1353 = arith.constant 9 : index
    %swap3A_1354 = arith.constant 0 : index
    %swap3A_1355 = arith.constant 0 : index
    %swap3A_1356 = vector.load %arg3[%swap3A_1353, %swap3A_1354, %swap3A_1355] : memref<10x8x1920xf32, #tpu.memory_space<vmem>>, vector<1x8x1920xf32>
    %swap3A_1357 = vector.shape_cast %swap3A_1356 : vector<1x8x1920xf32> to vector<8x1920xf32>
    %swap3A_1358 = vector.shape_cast %concatenate3A_1346 : vector<8x1920xf32> to vector<1x8x1920xf32>
    tpu.vector_store %arg3[%swap3A_1353, %swap3A_1354, %swap3A_1355], %swap3A_1358 {strides = array<i32>} : memref<10x8x1920xf32, #tpu.memory_space<vmem>>, vector<1x8x1920xf32>,
    return
  }
  func.func @transform_0(%arg0: i32) -> (i32, i32, i32) {
    %c0_i32 = arith.constant 0 : i32
    %c0_i32_0 = arith.constant 0 : i32
    %c0_i32_1 = arith.constant 0 : i32
    %c0_i32_2 = arith.constant 0 : i32
    return %c0_i32, %c0_i32_0, %c0_i32_1 : i32, i32, i32
  }
  func.func @transform_1(%arg0: i32) -> (i32, i32, i32) {
    %c0_i32 = arith.constant 0 : i32
    %c0_i32_0 = arith.constant 0 : i32
    %c0_i32_1 = arith.constant 0 : i32
    return %arg0, %c0_i32, %c0_i32_0 : i32, i32, i32
  }
  func.func @transform_2(%arg0: i32) -> (i32, i32, i32) {
    %c0_i32 = arith.constant 0 : i32
    %c0_i32_0 = arith.constant 0 : i32
    %c0_i32_1 = arith.constant 0 : i32
    return %arg0, %c0_i32, %c0_i32_0 : i32, i32, i32
  }
}

module attributes {stable_mosaic.version = 14 : i64} {
  func.func @_combine_kernel(%arg0: i32, %arg1: memref<1x600x512xf32, #tpu.memory_space<vmem>>, %arg2: memref<1x600x32xf32, #tpu.memory_space<vmem>>, %arg3: memref<512x64xf32, #tpu.memory_space<vmem>>, %arg4: memref<1x64x600xf32, #tpu.memory_space<vmem>>) attributes {dimension_semantics = [#tpu.dimension_semantics<arbitrary>], iteration_bounds = array<i64: 360>, scalar_prefetch = 0 : i64, scratch_operands = 0 : i64, tpu.core_type = #tpu.core_type<tc>, window_params = [{transform_indices = @transform_0, window_bounds = array<i64: 1, 600, 512>}, {transform_indices = @transform_1, window_bounds = array<i64: 1, 600, 32>}, {pipeline_mode = #tpu.pipeline_mode<synchronous>, transform_indices = @transform_2, window_bounds = array<i64: 512, 64>}, {transform_indices = @transform_3, window_bounds = array<i64: 1, 64, 600>}]} {
    %get3A = arith.constant 0 : index
    %get3A_0 = arith.constant 0 : index
    %get3A_1 = arith.constant 0 : index
    %get3A_2 = vector.load %arg1[%get3A, %get3A_0, %get3A_1] : memref<1x600x512xf32, #tpu.memory_space<vmem>>, vector<1x600x512xf32>
    %get3A_3 = vector.shape_cast %get3A_2 : vector<1x600x512xf32> to vector<600x512xf32>
    %get3A_4 = arith.constant 0 : index
    %get3A_5 = arith.constant 0 : index
    %get3A_6 = arith.constant 0 : index
    %get3A_7 = vector.load %arg2[%get3A_4, %get3A_5, %get3A_6] : memref<1x600x32xf32, #tpu.memory_space<vmem>>, vector<1x600x32xf32>
    %get3A_8 = vector.shape_cast %get3A_7 : vector<1x600x32xf32> to vector<600x32xf32>
    %iota3A = tpu.iota {dimensions = array<i32: 0>} : vector<32x512xi32>
    %iota3A_9 = tpu.iota {dimensions = array<i32: 1>} : vector<32x512xi32>
    %jit3A = arith.constant 16 : i32
    %div3A = vector.broadcast %jit3A : i32 to vector<32x512xi32>
    %div3A_10 = arith.divsi %iota3A_9, %div3A : vector<32x512xi32>
    %sign3A = arith.constant 0 : i32
    %sign3A_11 = vector.broadcast %sign3A : i32 to vector<32x512xi32>
    %sign3A_12 = arith.cmpi sgt, %iota3A_9, %sign3A_11 : vector<32x512xi32>
    %sign3A_13 = arith.extui %sign3A_12 : vector<32x512xi1> to vector<32x512xi32>
    %sign3A_14 = arith.constant 0 : i32
    %sign3A_15 = vector.broadcast %sign3A_14 : i32 to vector<32x512xi32>
    %sign3A_16 = arith.cmpi slt, %iota3A_9, %sign3A_15 : vector<32x512xi32>
    %sign3A_17 = arith.extui %sign3A_16 : vector<32x512xi1> to vector<32x512xi32>
    %sign3A_18 = arith.subi %sign3A_13, %sign3A_17 : vector<32x512xi32>
    %sign3A_19 = arith.constant 0 : i32
    %sign3A_20 = arith.cmpi sgt, %jit3A, %sign3A_19 : i32
    %sign3A_21 = arith.extui %sign3A_20 : i1 to i32
    %sign3A_22 = arith.constant 0 : i32
    %sign3A_23 = arith.cmpi slt, %jit3A, %sign3A_22 : i32
    %sign3A_24 = arith.extui %sign3A_23 : i1 to i32
    %sign3A_25 = arith.subi %sign3A_21, %sign3A_24 : i32
    %ne3A = vector.broadcast %sign3A_25 : i32 to vector<32x512xi32>
    %ne3A_26 = arith.cmpi ne, %sign3A_18, %ne3A : vector<32x512xi32>
    %rem3A = vector.broadcast %jit3A : i32 to vector<32x512xi32>
    %rem3A_27 = arith.remsi %iota3A_9, %rem3A : vector<32x512xi32>
    %ne3A_28 = arith.constant 0 : i32
    %ne3A_29 = vector.broadcast %ne3A_28 : i32 to vector<32x512xi32>
    %ne3A_30 = arith.cmpi ne, %rem3A_27, %ne3A_29 : vector<32x512xi32>
    %and3A = arith.andi %ne3A_26, %ne3A_30 : vector<32x512xi1>
    %sub3A = arith.constant 1 : i32
    %sub3A_31 = vector.broadcast %sub3A : i32 to vector<32x512xi32>
    %sub3A_32 = arith.subi %div3A_10, %sub3A_31 : vector<32x512xi32>
    %select_n3A = arith.select %and3A, %sub3A_32, %div3A_10 : vector<32x512xi1>, vector<32x512xi32>
    %eq3A = arith.cmpi eq, %select_n3A, %iota3A : vector<32x512xi32>
    %convert_element_type3A = arith.extui %eq3A : vector<32x512xi1> to vector<32x512xi32>
    %convert_element_type3A_33 = arith.sitofp %convert_element_type3A : vector<32x512xi32> to vector<32x512xf32>
    %dot_general3A = arith.constant dense<0.000000e+00> : vector<600x512xf32>
    %dot_general3A_34 = tpu.matmul %get3A_8, %convert_element_type3A_33, %dot_general3A {dimension_numbers = #tpu.dot_dimension_numbers<[1], [0], [0], [1], [0, 0, 1, 1], [], []>, transpose_lhs_hint = false} : vector<600x32xf32>, vector<32x512xf32>, vector<600x512xf32> -> vector<600x512xf32>
    %get3A_35 = arith.constant 0 : index
    %get3A_36 = arith.constant 0 : index
    %get3A_37 = vector.load %arg3[%get3A_35, %get3A_36] : memref<512x64xf32, #tpu.memory_space<vmem>>, vector<512x64xf32>
    %mul3A = arith.mulf %get3A_3, %dot_general3A_34 : vector<600x512xf32>
    %dot_general3A_38 = arith.constant dense<0.000000e+00> : vector<64x600xf32>
    %dot_general3A_39 = tpu.matmul %get3A_37, %mul3A, %dot_general3A_38 {dimension_numbers = #tpu.dot_dimension_numbers<[0], [1], [1], [0], [0, 1, 1, 0], [], []>, transpose_lhs_hint = false} : vector<512x64xf32>, vector<600x512xf32>, vector<64x600xf32> -> vector<64x600xf32>
    %swap3A = arith.constant 0 : index
    %swap3A_40 = arith.constant 0 : index
    %swap3A_41 = arith.constant 0 : index
    %swap3A_42 = vector.load %arg4[%swap3A, %swap3A_40, %swap3A_41] : memref<1x64x600xf32, #tpu.memory_space<vmem>>, vector<1x64x600xf32>
    %swap3A_43 = vector.shape_cast %swap3A_42 : vector<1x64x600xf32> to vector<64x600xf32>
    %swap3A_44 = vector.shape_cast %dot_general3A_39 : vector<64x600xf32> to vector<1x64x600xf32>
    tpu.vector_store %arg4[%swap3A, %swap3A_40, %swap3A_41], %swap3A_44 {strides = array<i32>} : memref<1x64x600xf32, #tpu.memory_space<vmem>>, vector<1x64x600xf32>,
    return
  }
  func.func @transform_0(%arg0: i32) -> (i32, i32, i32) {
    %c0_i32 = arith.constant 0 : i32
    %c0_i32_0 = arith.constant 0 : i32
    %c0_i32_1 = arith.constant 0 : i32
    return %arg0, %c0_i32, %c0_i32_0 : i32, i32, i32
  }
  func.func @transform_1(%arg0: i32) -> (i32, i32, i32) {
    %c0_i32 = arith.constant 0 : i32
    %c0_i32_0 = arith.constant 0 : i32
    %c0_i32_1 = arith.constant 0 : i32
    return %arg0, %c0_i32, %c0_i32_0 : i32, i32, i32
  }
  func.func @transform_2(%arg0: i32) -> (i32, i32) {
    %c0_i32 = arith.constant 0 : i32
    %c0_i32_0 = arith.constant 0 : i32
    %c0_i32_1 = arith.constant 0 : i32
    return %c0_i32, %c0_i32_0 : i32, i32
  }
  func.func @transform_3(%arg0: i32) -> (i32, i32, i32) {
    %c0_i32 = arith.constant 0 : i32
    %c0_i32_0 = arith.constant 0 : i32
    %c0_i32_1 = arith.constant 0 : i32
    return %arg0, %c0_i32, %c0_i32_0 : i32, i32, i32
  }
}

</mosaic_0001>

<sc_bundles>
// kernel: kernel.5.cloned.1.call-start
scs
__scs_entry_jumppad:
0x0: {  	(pc) =	sbr.rel $0x88, $3  }
0x1: {  	(tag) =	ssettag $0x0;
	lr =	simm.s32 $0x1  }
0x2: {  	[smem:$0x3F9E] =	sst lr;
	_ =	strace $0xD0000000  }
0x3: {  	_ = 	snop  }
0x4: {  	_ = 	snop  }
0x5: {  	_ = 	snop  }
0x6: {  	_ = 	snop  }
0x7: {  	_ = 	snop  }
__scs_overlays_trampoline_lowered:
0x8: {  	[smem:$0x3FAD] =	sst s0  }
0x9: {  	[smem:$0x3FAE] =	sst s1  }
0xa: {  	[smem:$0x3FAF] =	sst s2  }
0xb: {  	[smem:$0x3FB0] =	sst s3  }
0xc: {  	[smem:$0x3FB1] =	sst s4  }
0xd: {  	[smem:$0x3FB2] =	sst s5  }
0xe: {  	[smem:$0x3FB3] =	sst s6  }
0xf: {  	[smem:$0x3FB4] =	sst s7  }
0x10: {  	[smem:$0x3FB5] =	sst s8  }
0x11: {  	[smem:$0x3FB6] =	sst s9;
	s0 =	simm.s32 @!p0 $0x0  }
0x12: {  	s1 =	sld [smem:$0x3F9C];
	s0 =	simm.s32 @p0 $0x1  }
0x13: {  	[smem:$0x3FB7] =	sst s0;
	s0 =	simm.s32 @!p1 $0x0  }
0x14: {  	s2 =	sld [smem:$0x3F9B];
	s0 =	simm.s32 @p1 $0x1  }
0x15: {  	[smem:$0x3FB8] =	sst s0;
	s0 =	simm.s32 @!p2 $0x0  }
0x16: {  	s3 =	sld [smem:$0x3FDB];
	s0 =	simm.s32 @p2 $0x1  }
0x17: {  	s4 =	simm.s32 $0x1BF5;
	[smem:$0x3FBA] =	sst s0  }
0x18: {  	s0 =	sld [smem:$0x3F9D];
	_ =	swait.ge [sflag:s4], $0x0  }
0x19: {  	s7 =	sld [smem:$0x3F9E]  }
0x1a: {  	s8 =	sadd.s32 $0xFFFFE003, lr  }
0x1b: {  	s9 =	sadd.s32 $0xFFFFFEF7, lr;
	s5 =	simm.s32 $0xFFFFFFFF;
	p2 =	slt.u32 s8, $0xFFFFF086  }
0x1c: {  	p1 =	slt.u32 s9, $0xF7A;
	s5 =	simm.s32 @!p2 $0x0  }
0x1d: {  	s5 =	simm.s32 @p1 $0x1;
	p0 =	seq.s32 s7, s2  }
0x1e: {  	s7 =	smul.u32 @!p0 $0xF7A, s2;
	p2 =	seq.s32 @!p0 s5, $0x0  }
0x1f: {  	s9 =	smul.u32 $0xF7A, s1;
	s8 =	simm.s32 @!p0 $0x1BF5;
	p2 =	por !p2, p0  }
0x20: {  	[sflag:s8] =	ssyncset.s32 @!p0 $0xFFFFF086;
	s6 =	sadd.s32 @!p0 s3, s7;
	s7 =	simm.s32 @!p0 $0x108  }
0x21: {  	s3 =	sadd.s32 s3, s9;
	s6 =	sadd.s32 @!p0 $0x88, s6;
	s7 =	simm.s32 @p2 $0x1082  }
0x22: {  	[simem:s7], [sflag:s8] =	dma.local @!p0 [hbm:s6], $0xF7A  }
0x23: {  	s9 =	sor.u32 $0xD0000000, s2;
	s6 =	simm.s32 $0x108;
	_ =	swait.ge @!p0 [sflag:s8], $0x0  }
0x24: {  	s3 =	sadd.s32 $0x88, s3;
	s6 =	simm.s32 @!p1 $0x1082;
	[sflag:s4] =	ssyncset.s32 $0xFFFFF086  }
0x25: {  	[simem:s6], [sflag:s4] =	dma.local [hbm:s3], $0xF7A  }
0x26: {  	[smem:$0x3F9E] =	sst s1;
	(tag) =	ssettag s2;
	_ =	strace s9  }
0x27: {  	s1 =	sld [smem:$0x3FAE]  }
0x28: {  	s2 =	sld [smem:$0x3FAF]  }
0x29: {  	s4 =	sld [smem:$0x3FB1]  }
0x2a: {  	p0 =	seq.s32 s5, $0x0;
	s5 =	sld [smem:$0x3FB2]  }
0x2b: {  	s6 =	sld [smem:$0x3FB3]  }
0x2c: {  	s7 =	sld [smem:$0x3FB4]  }
0x2d: {  	s3 =	simm.s32 $0x108;
	s8 =	sld [smem:$0x3FB5]  }
0x2e: {  	s3 =	simm.s32 @!p0 $0x1082;
	s9 =	sld [smem:$0x3FB6]  }
0x2f: {  	lr =	sadd.s32 s0, s3;
	s0 =	sld [smem:$0x3FAD]  }
0x30: {  	s3 =	sld [smem:$0x3FB0]  }
0x31: {  	[smem:$0x3FB9] =	sst s10  }
0x32: {  	s10 =	sld [smem:$0x3FB7];
	_ =	sdelay $0x3  }
0x33: {  	p0 =	seq.s32 s10, $0x1;
	s10 =	sld [smem:$0x3FB9];
	_ =	sdelay $0x3  }
0x34: {  	[smem:$0x3FB9] =	sst s10  }
0x35: {  	s10 =	sld [smem:$0x3FB8];
	_ =	sdelay $0x3  }
0x36: {  	p1 =	seq.s32 s10, $0x1;
	s10 =	sld [smem:$0x3FB9];
	_ =	sdelay $0x3  }
0x37: {  	[smem:$0x3FB9] =	sst s10  }
0x38: {  	s10 =	sld [smem:$0x3FBA]  }
0x39: {  	_ = 	snop;
	(pc) =	sbr.ind lr, $3  }
0x3a: {  	_ = 	snop  }
0x3b: {  	_ = 	snop  }
0x3c: {  	p2 =	seq.s32 s10, $0x1;
	s10 =	sld [smem:$0x3FB9]  }
0x3d: {  	_ =	shalt  }
0x3e: {  	_ =	shalt  }
0x3f: {  	_ =	shalt  }
0x40: {  	_ =	shalt  }
0x41: {  	_ =	shalt  }
0x42: {  	_ =	shalt  }
0x43: {  	_ =	shalt  }
0x44: {  	_ =	shalt  }
0x45: {  	_ =	shalt  }
0x46: {  	_ =	shalt  }
0x47: {  	_ =	shalt  }
0x48: {  	_ =	shalt  }
0x49: {  	_ =	shalt  }
0x4a: {  	_ =	shalt  }
0x4b: {  	_ =	shalt  }
0x4c: {  	_ =	shalt  }
0x4d: {  	_ =	shalt  }
0x4e: {  	_ =	shalt  }
0x4f: {  	_ =	shalt  }
0x50: {  	_ =	shalt  }
0x51: {  	_ =	shalt  }
0x52: {  	_ =	shalt  }
0x53: {  	_ =	shalt  }
0x54: {  	_ =	shalt  }
0x55: {  	_ =	shalt  }
0x56: {  	_ =	shalt  }
0x57: {  	_ =	shalt  }
0x58: {  	_ =	shalt  }
0x59: {  	_ =	shalt  }
0x5a: {  	_ =	shalt  }
0x5b: {  	_ =	shalt  }
0x5c: {  	_ =	shalt  }
0x5d: {  	_ =	shalt  }
0x5e: {  	_ =	shalt  }
0x5f: {  	_ =	shalt  }
0x60: {  	_ =	shalt  }
0x61: {  	_ =	shalt  }
0x62: {  	_ =	shalt  }
0x63: {  	_ =	shalt  }
0x64: {  	_ =	shalt  }
0x65: {  	_ =	shalt  }
0x66: {  	_ =	shalt  }
0x67: {  	_ =	shalt  }
0x68: {  	_ =	shalt  }
0x69: {  	_ =	shalt  }
0x6a: {  	_ =	shalt  }
0x6b: {  	_ =	shalt  }
0x6c: {  	_ =	shalt  }
0x6d: {  	_ =	shalt  }
0x6e: {  	_ =	shalt  }
0x6f: {  	_ =	shalt  }
0x70: {  	_ =	shalt  }
0x71: {  	_ =	shalt  }
0x72: {  	_ =	shalt  }
0x73: {  	_ =	shalt  }
0x74: {  	_ =	shalt  }
0x75: {  	_ =	shalt  }
0x76: {  	_ =	shalt  }
0x77: {  	_ =	shalt  }
0x78: {  	_ =	shalt  }
0x79: {  	_ =	shalt  }
0x7a: {  	_ =	shalt  }
0x7b: {  	_ =	shalt  }
0x7c: {  	_ =	shalt  }
0x7d: {  	_ =	shalt  }
0x7e: {  	_ =	shalt  }
0x7f: {  	_ =	shalt  }
0x80: {  	_ =	shalt  }
0x81: {  	_ =	shalt  }
0x82: {  	_ =	shalt  }
0x83: {  	_ =	shalt  }
0x84: {  	_ =	shalt  }
0x85: {  	_ =	shalt  }
0x86: {  	_ =	shalt  }
0x87: {  	_ =	shalt  }
.Lfunc_end0:
.L_simem_size_0:
called_computation.2_lowered:
.L_overlay_start_0:
0x88: {  	s2 =	sld [smem:$0x3FD9]  }
0x89: {  	s3 =	sld [smem:$0x3FFE];
	_ =	sdelay $0x1  }
0x8a: {  	s1 =	srdreg.scid  }
0x8b: {  	s0 =	sand.u32 $0x1, s1  }
0x8c: {  	s16 =	sshll.u32 s0, $0xA;
	s2 =	sadd.s32 s3, s2  }
0x8d: {  	s2 =	sadd.s32 s2, s16  }
0x8e: {  	[smem:$0x3FC5] =	sst s2  }
0x8f: {  	_ = 	snop  }
0x90: {  	(tm) =	ssettm $0x1  }
0x91: {  	s17 =	sld [smem:$0x3FFB];
	_ =	sdelay $0x3  }
0x92: {  	_ =	strace s17  }
0x93: {  	s2 =	sld [smem:$0x3FFC];
	_ =	sdelay $0x3  }
0x94: {  	_ =	strace s2  }
0x95: {  	s2 =	sld [smem:$0x3FFD];
	_ =	sdelay $0x3  }
0x96: {  	_ =	strace s2  }
0x97: {  	_ =	strace $0x8FFFFFFF  }
0x98: {  	s18 =	sld [smem:$0x3FDB];
	_ =	sdelay $0x1  }
0x99: {  	s19 =	simm.s32 $_scs_section_size  }
0x9a: {  	s4 =	simm.s32 $_size__tile_overlayer_lowered;
	s5 =	simm.s32 $_tile_overlayer_lowered  }
0x9b: {  	s22 =	simm.s32 $0x1BFF;
	s21 =	sshll.u32 s5, $0x1;
	s2 =	sadd.s32 s19, s18  }
0x9c: {  	s6 =	simm.s32 $0x0;
	s20 =	sshll.u32 s4, $0x1;
	s4 =	sadd.s32 s21, s2  }
0x9d: {  	[timem:s6], [sflag:s22] =	dma.local [hbm:s4], s20  }
0x9e: {  	_ =	swait.ge [sflag:s22], s20  }
0x9f: {  	s3 =	ssub.s32 $0x0, s20;
	[sflag:s22] =	ssyncset.done $0x0  }
0xa0: {  	[sflag:s22] =	ssyncadd.s32 s3;
	_ =	sdelay $0x1  }
0xa1: {  	s23 =	simm.s32 $0x1B8B  }
0xa2: {  	_ =	swait.ge [sflag:s23], $0x1  }
0xa3: {  	[sflag:s23] =	ssyncset.done $0x0  }
0xa4: {  	s25 =	simm.s32 $0x1B8E;
	s24 =	sld [smem:$0x3FFE];
	[sflag:s23] =	ssyncadd.s32 $0xFFFFFFFF  }
0xa5: {  	s26 =	simm.s32 $execute0_lowered;
	[smem:$0x3FD2] =	sst s25  }
0xa6: {  	s4 =	sshll.u32 s26, $0x1;
	_ =	strace $0x80000046;
	[dreg:$0x1] =	wrdreg $0xFFFFFFFF  }
0xa7: {  	s28 =	simm.s32 $_size_execute0_lowered;
	s2 =	sadd.s32 s2, s4;
	[dreg:$0x0] =	wrdreg $0x0  }
0xa8: {  	s4 =	sshll.u32 s28, $0x1;
	[dreg:$0x2] =	wrdreg s2  }
0xa9: {  	[dreg:$0x3] =	wrdreg s4  }
0xaa: {  	[dreg:$0x4] =	wrdreg $0xC0  }
0xab: {  	_ =	task [dreg:s6], $0x5FFFF  }
0xac: {  	[dreg:$0x1] =	wrdreg $0xFFFFFFFF  }
0xad: {  	[dreg:$0x0] =	wrdreg $0x60  }
0xae: {  	[dreg:$0x2] =	wrdreg s24  }
0xaf: {  	[dreg:$0x3] =	wrdreg $0x9  }
0xb0: {  	_ =	task.clear_ibuf [dreg:s6], $0x4FFFF;
	_ =	strace $0x90000046  }
0xb1: {  	s29 =	simm.s32 $0x9;
	_ =	strace $0x80000048  }
0xb2: {  	_ =	swait.ge [sflag:s29], $0x1  }
0xb3: {  	[sflag:s29] =	ssyncadd.s32 $0xFFFFFFFF  }
0xb4: {  	_ =	strace $0x90000048  }
0xb5: {  	_ =	sfence  }
0xb6: {  	s30 =	sld [smem:$0x0];
	_ =	sdelay $0x2  }
0xb7: {  	s31 =	sshll.u32 s1, $0xD;
	s1 =	sshrl.u32 s1, $0x2  }
0xb8: {  	s3 =	sand.u32 $0x4000, s31;
	s1 =	sadd.s32 s1, s30  }
0xb9: {  	s0 =	sor.u32 s3, s0;
	s1 =	sshll.u32 s1, $0x11  }
0xba: {  	s0 =	sor.u32 s1, s0  }
0xbb: {  	s0 =	sadd.s32 $0x8F2B, s0  }
0xbc: {  	[sflag:s0] =	ssyncadd.remote.s32 $0x1  }
0xbd: {  	_ =	sfence.sel $0xFFFF  }
0xbe: {  	[dreg:$0x0] =	wrdreg $0xFFFFFFFF;
	(pc) =	sbr.abs _section_cstart, $3  }
0xbf: {  	[dreg:$0x1] =	wrdreg $0xFFFFFFFF  }
0xc0: {  	_ =	task.clear_ibuf [dreg:s6], $0x2FFFF;
	_ =	strace $0x9FFFFFFF  }
0xc1: {  	(tm) =	ssettm $0x7FFFFFFF  }
tec
execute0_lowered:
.L_overlay_start_1:
0x0: {  	(tag) =	ssettag $0x1  }
0x1: {  	s4 =	rddreg [dreg:$0x0]  }
0x2: {  	s0 =	rddreg [dreg:$0x1];
	s2 =	simm.s32 $0x0;
	s1 =	stileid.u32  }
0x3: {  	s3 =	srdreg.scid;
	s10 =	simm.s32 $0x0;
	s6 =	smul.u32 $0x69780, s1  }
0x4: {  	[smem:$0x7FF] =	sst s2;
	s5 =	sand.u32 $0x1, s3;
	s8 =	smul.u32 $0xD2F00, s1  }
0x5: {  	s3 =	sadd.s32 $0x420200, s4;
	s7 =	smul.u32 $0x34BC0, s5;
	s9 =	ssub.s32 $0x2, s5  }
0x6: {  	_ =	strace $0x80000047;
	s5 =	smul.u32 $0x69780, s5;
	s31 =	sshrl.u32 s9, $0x1  }
0x7: {  	s8 =	sadd.s32 s8, s4;
	s6 =	sadd.s32 s7, s6;
	s7 =	ssub.s32 s9, s31  }
0x8: {  	s5 =	sadd.s32 s5, s8;
	s8 =	simm.s32 $0xBB8;
	s6 =	sshrl.u32 s6, $0x3  }
0x9: {  	s9 =	simm.s32 $0x1;
	s5 =	sadd.s32 $0x489A00, s5;
	s6 =	sadd.s32 s6, s4  }
0xa: {  	s4 =	smax.u32 s7, $0x1;
	s7 =	simm.s32 $0x2;
	s6 =	sadd.s32 $0x1B32600, s6  }
.LBB2_1:
0xb: {  	s11 =	sadd.s32 $0x0, s6  }
0xc: {  	[tilespmem:s2], [sflag:$0x2] =	stream.linear.gather [hbm4b:s11+s2], $0xBB8, $0x38;
	[tilespmem:$0xC738] =	vst v63  }
0xd: {  	_ =	swait.ge [sflag:s7], $0xBB8  }
0xe: {  	[sflag:s7] =	ssyncset.done $0x0  }
0xf: {  	[sflag:s7] =	ssyncadd.s32 $0xFFFFF448  }
0x10: {  	[tilespmem:s8], [sflag:$0x1] =	stream.indirect.gather [hbm4b:s3+s8], $0x10, s2, s8, $0xb8;
	[tilespmem:$0xC738] =	vst v63  }
0x11: {  	_ =	swait.ge [sflag:s9], $0xBB80  }
0x12: {  	[sflag:s9] =	ssyncset.done $0x0  }
0x13: {  	[sflag:s9] =	ssyncadd.s32 $0xFFFF4480  }
0x14: {  	[hbm4b:s5+s2] =	stream.linear.scatter [tilespmem:s8], [sflag:$0x2], $0xBB80, $0x38;
	[tilespmem:$0xC738] =	vst v63  }
0x15: {  	s12 =	simm.s32 $0x177;
	_ =	swait.ge [sflag:s7], $0xBB80  }
0x16: {  	s13 =	simm.s32 $0x2EE;
	s11 =	sadd.s32 $0x1770, s5;
	[sflag:s7] =	ssyncset.done $0x0  }
.LBB2_2:
0x17: {  	s14 =	sadd.s32 s12, s6  }
0x18: {  	[sflag:s7] =	ssyncadd.s32 $0xFFFF4480;
	s12 =	smov.u32 s13;
	s15 =	sadd.s32 $0x177, s13  }
0x19: {  	[tilespmem:s2], [sflag:$0x2] =	stream.linear.gather [hbm4b:s14+s2], $0xBB8, $0x38;
	[tilespmem:$0xC738] =	vst v63  }
0x1a: {  	p0 =	sne.s32 s13, $0x6801;
	_ =	swait.ge [sflag:s7], $0xBB8  }
0x1b: {  	[sflag:s7] =	ssyncset.done $0x0  }
0x1c: {  	[sflag:s7] =	ssyncadd.s32 $0xFFFFF448  }
0x1d: {  	[tilespmem:s8], [sflag:$0x1] =	stream.indirect.gather [hbm4b:s3+s8], $0x10, s2, s8, $0xb8;
	[tilespmem:$0xC738] =	vst v63  }
0x1e: {  	_ =	swait.ge [sflag:s9], $0xBB80  }
.Ltmp0:
0x1f: {  	[sflag:s9] =	ssyncset.done $0x0;
	(pc) =	sbr.rel @p0 .LBB2_2-.Ltmp0, $4  }
0x20: {  	[sflag:s9] =	ssyncadd.s32 $0xFFFF4480  }
0x21: {  	[hbm4b:s11+s2] =	stream.linear.scatter [tilespmem:s8], [sflag:$0x2], $0xBB80, $0x38;
	[tilespmem:$0xC738] =	vst v63  }
0x22: {  	_ =	swait.ge [sflag:s7], $0xBB80  }
0x23: {  	s13 =	smov.u32 s15;
	s11 =	sadd.s32 $0x1770, s11;
	[sflag:s7] =	ssyncset.done $0x0  }
0x24: {  	s12 =	sadd.s32 s12, s6;
	[sflag:s7] =	ssyncadd.s32 $0xFFFF4480  }
0x25: {  	[tilespmem:s2], [sflag:$0x2] =	stream.linear.gather [hbm4b:s12+s2], $0xBB8, $0x38;
	[tilespmem:$0xC738] =	vst v63  }
0x26: {  	_ =	swait.ge [sflag:s7], $0xBB8  }
0x27: {  	[sflag:s7] =	ssyncset.done $0x0  }
0x28: {  	[sflag:s7] =	ssyncadd.s32 $0xFFFFF448  }
0x29: {  	[tilespmem:s8], [sflag:$0x1] =	stream.indirect.gather [hbm4b:s3+s8], $0x10, s2, s8, $0xb8;
	[tilespmem:$0xC738] =	vst v63  }
0x2a: {  	s10 =	sadd.s32 $0x1, s10;
	_ =	swait.ge [sflag:s9], $0xBB80  }
0x2b: {  	p0 =	sne.s32 s10, s4;
	[sflag:s9] =	ssyncset.done $0x0  }
.Ltmp1:
0x2c: {  	[sflag:s9] =	ssyncadd.s32 $0xFFFF4480;
	(pc) =	sbr.rel @p0 .LBB2_1-.Ltmp1, $4  }
0x2d: {  	[hbm4b:s11+s2] =	stream.linear.scatter [tilespmem:s8], [sflag:$0x2], $0xBB80, $0x38;
	[tilespmem:$0xC738] =	vst v63  }
0x2e: {  	_ =	swait.ge [sflag:s7], $0xBB80  }
0x2f: {  	[sflag:s7] =	ssyncset.done $0x0  }
0x30: {  	[sflag:s7] =	ssyncadd.s32 $0xFFFF4480  }
0x31: {  	_ =	sfence.sel $0x180000  }
0x32: {  	[bflag:$0x0] =	sbarrier.arrive $0xFFFF  }
0x33: {  	p0 =	sne.s32 s1, $0x0;
	_ =	strace $0x90000047  }
0x34: {  	s0 =	sadd.s32 @!p0 $0x100000, s0;
	[bflag:$0x2] =	sbarrier.arrive $0xFFFF  }
0x35: {  	[sflag:s0] =	ssyncadd.tile.s32 @!p0 $0x1;
	_ =	shalt  }
.Lfunc_end2:
_tile_overlayer_lowered:
.L_overlay_start_2:
0x36: {  	(tag) =	ssettag $0x2  }
0x37: {  	s0 =	rddreg [dreg:$0x0];
	s2 =	stileid.u32  }
0x38: {  	s1 =	rddreg [dreg:$0x1];
	p0 =	sne.s32 s2, $0x0  }
0x39: {  	s3 =	rddreg [dreg:$0x2];
	[bflag:$0x3] =	sbarrier.arrive $0xFFFF;
	s2 =	simm.s32 @!p0 $0x1C02  }
0x3a: {  	[timem:s3], [sflag:s2] =	dma.local @!p0 [hbm:s0], s1  }
0x3b: {  	s0 =	simm.s32 @!p0 $0x2  }
0x3c: {  	_ =	swait.ge @!p0 [sflag:s0], s1  }
0x3d: {  	s1 =	ssub.s32 @!p0 $0x0, s1;
	[sflag:s0] =	ssyncset.done @!p0 $0x0  }
0x3e: {  	[sflag:s0] =	ssyncadd.s32 @!p0 s1  }
0x3f: {  	[bflag:$0x3] =	sbarrier.arrive $0xFFFF  }
0x40: {  	_ =	shalt  }

// kernel: sparse-core-data-format-call.1.cloned.1.call-start
scs
called_computation.1_lowered:
.L_overlay_start_0:
0x0: {  	s2 =	sld [smem:$0x3FD9]  }
0x1: {  	s3 =	sld [smem:$0x3FFE];
	_ =	sdelay $0x1  }
0x2: {  	s1 =	srdreg.scid  }
0x3: {  	s0 =	sand.u32 $0x1, s1  }
0x4: {  	s18 =	sshll.u32 s0, $0xA;
	s2 =	sadd.s32 s3, s2  }
0x5: {  	s2 =	sadd.s32 s2, s18  }
0x6: {  	[smem:$0x3FC5] =	sst s2  }
0x7: {  	_ = 	snop  }
0x8: {  	s2 =	sld [smem:$0x3FD0];
	(tm) =	ssettm $0x1  }
0x9: {  	s19 =	sld [smem:$0x3FFB];
	_ =	sdelay $0x3  }
0xa: {  	_ =	strace s19  }
0xb: {  	s3 =	sld [smem:$0x3FFC];
	_ =	sdelay $0x3  }
0xc: {  	_ =	strace s3  }
0xd: {  	s3 =	sld [smem:$0x3FFD];
	_ =	sdelay $0x3  }
0xe: {  	_ =	strace s3  }
0xf: {  	_ =	strace $0x8FFFFFFF  }
0x10: {  	s20 =	sld [smem:$0x3FDB];
	_ =	sdelay $0x1  }
0x11: {  	s4 =	simm.s32 $_scs_section_size  }
0x12: {  	s5 =	simm.s32 $_size__tile_overlayer_lowered;
	s6 =	simm.s32 $_tile_overlayer_lowered  }
0x13: {  	s23 =	simm.s32 $0x1BFF;
	s22 =	sshll.u32 s6, $0x1;
	s3 =	sadd.s32 s4, s20  }
0x14: {  	s7 =	simm.s32 $0x0;
	s21 =	sshll.u32 s5, $0x1;
	s5 =	sadd.s32 s22, s3  }
0x15: {  	[timem:s7], [sflag:s23] =	dma.local [hbm:s5], s21  }
0x16: {  	_ =	swait.ge [sflag:s23], s21  }
0x17: {  	s4 =	ssub.s32 $0x0, s21;
	[sflag:s23] =	ssyncset.done $0x0  }
0x18: {  	[sflag:s23] =	ssyncadd.s32 s4;
	_ =	sdelay $0x1  }
0x19: {  	s24 =	simm.s32 $0x1B8B  }
0x1a: {  	_ =	swait.ge [sflag:s24], $0x1  }
0x1b: {  	[sflag:s24] =	ssyncset.done $0x0  }
0x1c: {  	s26 =	simm.s32 $0x1B8E;
	s25 =	sld [smem:$0x3FFE];
	[sflag:s24] =	ssyncadd.s32 $0xFFFFFFFF  }
0x1d: {  	s27 =	simm.s32 $execute0_lowered;
	[smem:$0x3FD2] =	sst s26  }
0x1e: {  	s5 =	sshll.u32 s27, $0x1;
	_ =	strace $0x80000049;
	[dreg:$0x1] =	wrdreg $0xFFFFFFFF  }
0x1f: {  	s28 =	simm.s32 $_size_execute0_lowered;
	s3 =	sadd.s32 s3, s5;
	[dreg:$0x0] =	wrdreg $0x0  }
0x20: {  	s5 =	sshll.u32 s28, $0x1;
	[dreg:$0x2] =	wrdreg s3  }
0x21: {  	[dreg:$0x3] =	wrdreg s5  }
0x22: {  	[dreg:$0x4] =	wrdreg $0xC0  }
0x23: {  	_ =	task [dreg:s7], $0x5FFFF  }
0x24: {  	[dreg:$0x1] =	wrdreg $0xFFFFFFFF  }
0x25: {  	[dreg:$0x0] =	wrdreg $0x60  }
0x26: {  	[dreg:$0x2] =	wrdreg s2  }
0x27: {  	[dreg:$0x3] =	wrdreg s25  }
0x28: {  	[dreg:$0x4] =	wrdreg $0x9  }
0x29: {  	_ =	task.clear_ibuf [dreg:s7], $0x5FFFF;
	_ =	strace $0x90000049  }
0x2a: {  	s29 =	simm.s32 $0x9;
	_ =	strace $0x8000004B  }
0x2b: {  	_ =	swait.ge [sflag:s29], $0x1  }
0x2c: {  	[sflag:s29] =	ssyncadd.s32 $0xFFFFFFFF  }
0x2d: {  	_ =	strace $0x9000004B  }
0x2e: {  	_ =	sfence  }
0x2f: {  	s30 =	sld [smem:$0x0];
	_ =	sdelay $0x2  }
0x30: {  	s31 =	sshll.u32 s1, $0xD;
	s1 =	sshrl.u32 s1, $0x2  }
0x31: {  	s3 =	sand.u32 $0x4000, s31;
	s1 =	sadd.s32 s1, s30  }
0x32: {  	s0 =	sor.u32 s3, s0;
	s1 =	sshll.u32 s1, $0x11  }
0x33: {  	s0 =	sor.u32 s1, s0  }
0x34: {  	s0 =	sadd.s32 $0x8F2B, s0  }
0x35: {  	[sflag:s0] =	ssyncadd.remote.s32 $0x1  }
0x36: {  	_ =	sfence.sel $0xFFFF  }
0x37: {  	[dreg:$0x0] =	wrdreg $0xFFFFFFFF;
	(pc) =	sbr.abs _section_cstart, $3  }
0x38: {  	[dreg:$0x1] =	wrdreg $0xFFFFFFFF  }
0x39: {  	_ =	task.clear_ibuf [dreg:s7], $0x2FFFF;
	_ =	strace $0x9FFFFFFF  }
0x3a: {  	(tm) =	ssettm $0x7FFFFFFF  }
0x3b: {  	_ =	shalt  }
tec
execute0_lowered:
.L_overlay_start_1:
0x0: {  	(tag) =	ssettag $0x1  }
0x1: {  	s0 =	srdreg.scid  }
0x2: {  	s1 =	sshll.u32 s0, $0x4  }
0x3: {  	s3 =	rddreg [dreg:$0x0];
	s0 =	stileid.u32;
	s1 =	sand.u32 $0x10, s1  }
0x4: {  	s6 =	rddreg [dreg:$0x1];
	s5 =	simm.s32 $0x1;
	s1 =	sor.u32 s0, s1  }
0x5: {  	s31 =	simm.s32 $0x2;
	s15 =	simm.s32 $0x0;
	s2 =	sshll.u32 s1, $0x1  }
0x6: {  	s8 =	simm.s32 $0x38400;
	s9 =	simm.s32 $0x0;
	s4 =	ssub.s32 $0x168, s2  }
0x7: {  	s14 =	simm.s32 $0x0;
	s16 =	simm.s32 $0x0;
	s30 =	sand.u32 $0x3E, s4  }
0x8: {  	s10 =	simm.s32 $0x0;
	s11 =	simm.s32 $0x0;
	p0 =	sne.s32 s30, $0x0  }
.Ltmp0:
0x9: {  	s7 =	sshrl.u32 s4, $0x6;
	s5 =	simm.s32 @!p0 $0x0;
	(pc) =	sbr.rel .LBB1_1-.Ltmp0, $4  }
0xa: {  	s13 =	simm.s32 $0x0;
	s1 =	rddreg [dreg:$0x2];
	s5 =	sadd.s32 s5, s7  }
0xb: {  	_ =	strace $0x8000004A;
	s4 =	simm.s32 $0x1;
	s5 =	smul.u32 $0x5, s5  }
0xc: {  	s23 =	simm.s32 $0x0;
	s6 =	sadd.s32 $0x1600, s6;
	[sflag:s4] =	ssyncpa.u1 $0x0  }
0xd: {  	s12 =	smov.u32 s2;
	[sflag:s31] =	ssyncpa.u1 $0x0;
	s7 =	sadd.s32 $0x1, s5  }
.LBB1_7:
0xe: {  	s17 =	sadd.s32 $0x80, s10  }
0xf: {  	s14 =	sadd.s32 $0x40, s11;
	s18 =	smov.u32 s11;
	p1 =	sgt.s32 s17, $0x257  }
0x10: {  	s18 =	smov.u32 @p1 s14  }
0x11: {  	s20 =	smov.u32 s12;
	s14 =	sadd.s32 $0x40, s12;
	p2 =	sgt.s32 s18, $0x3F  }
0x12: {  	s20 =	smov.u32 @p2 s14  }
0x13: {  	s17 =	simm.s32 @p1 $0x0;
	p1 =	sgt.s32 s20, $0x167  }
0x14: {  	p0 =	slt.u32 s13, $0x2;
	s20 =	smov.u32 @p1 s2;
	p1 =	sne.s32 s13, s7  }
.Ltmp1:
0x15: {  	s19 =	simm.s32 @!p0 $0x2;
	(pc) =	sbr.rel @!p1 .LBB1_8-.Ltmp1, $4  }
0x16: {  	s15 =	smov.u32 s10;
	s16 =	smov.u32 s12;
	_ =	swait.ge @!p0 [sflag:s19], $0x4000  }
0x17: {  	s9 =	sadd.s32 $0x4000, s9;
	[sflag:s19] =	ssyncset.done @!p0 $0x0;
	s10 =	smov.u32 s17  }
0x18: {  	s18 =	simm.s32 @p2 $0x0;
	s14 =	smov.u32 s11;
	[sflag:s19] =	ssyncadd.s32 @!p0 $0xFFFFC000  }
0x19: {  	s11 =	smov.u32 s18;
	s13 =	sadd.s32 $0x1, s13;
	s12 =	smov.u32 s20  }
.LBB1_1:
0x1a: {  	p0 =	sge.u32 s13, s5  }
0x1b: {  	s17 =	sshrl.u32 @!p0 s11, $0x3  }
0x1c: {  	s18 =	sshll.u32 @!p0 s10, $0x3;
	s17 =	smul.u32 @!p0 $0x1400, s17  }
0x1d: {  	s19 =	sshll.u32 @!p0 s11, $0x7;
	s18 =	sand.u32 @!p0 $0xFFFFFC00, s18  }
0x1e: {  	s17 =	sadd.s32 @!p0 s17, s18;
	s18 =	sand.u32 @!p0 $0x380, s19  }
0x1f: {  	s19 =	sand.u32 @!p0 $0x7F, s10;
	s17 =	sor.u32 @!p0 s18, s17  }
0x20: {  	s18 =	sor.u32 @!p0 s19, s17  }
0x21: {  	s19 =	smulhi.u32 @!p0 $0xCCCCCCCD, s18  }
0x22: {  	s17 =	smulhi.u32 @!p0 $0xCCCCCCCD, s17  }
0x23: {  	s19 =	sshrl.u32 @!p0 s19, $0x9  }
0x24: {  	s31 =	sadd.s32 $0xFFFFFFFF, s13;
	s17 =	sshrl.u32 @!p0 s17, $0x9;
	s19 =	smul.u32 @!p0 $0x280, s19  }
0x25: {  	s20 =	sxor.u32 @!p0 $0xFFFFFFFF, s13;
	s21 =	smul.u32 @!p0 $0x1400, s12;
	s17 =	sand.u32 @!p0 $0x3F, s17  }
0x26: {  	s20 =	sshll.u32 @!p0 s20, $0xE;
	s17 =	smul.u32 @!p0 $0x50, s17;
	s18 =	ssub.s32 @!p0 s18, s19  }
0x27: {  	s19 =	sand.u32 @!p0 $0x4000, s20;
	s20 =	sadd.s32 @!p0 s3, s21;
	s21 =	sand.u32 @!p0 $0x7, s18  }
0x28: {  	s18 =	sshrl.u32 @!p0 s18, $0x3;
	s17 =	sadd.s32 @!p0 s17, s20;
	s20 =	sshll.u32 @!p0 s21, $0x12  }
0x29: {  	s17 =	sadd.s32 @!p0 s18, s17;
	s18 =	sor.u32 @!p0 $0x400, s20;
	s20 =	simm.s32 @!p0 $0x1400  }
0x2a: {  	[tilespmem:s19], [sflag:$0x1] =	stream.strided.gather @!p0 [hbm4b:s17+s18], $0x4000, s20, s18, $0x38;
	[tilespmem:$0x10000] =	vst v63  }
0x2b: {  	p0 =	sge.u32 s31, s5  }
.Ltmp2:
0x2c: {  	_ = 	snop;
	(pc) =	sbr.rel @p0 .LBB1_7-.Ltmp2, $1  }
0x2d: {  	_ =	sdelay $0x3  }
0x2e: {  	s17 =	sshll.u32 s9, $0x2  }
0x2f: {  	_ =	swait.ge [sflag:s4], $0x4000;
	s18 =	sshll.u32 s13, $0xE;
	s20 =	simm.s32 $0x0  }
0x30: {  	p1 =	por $0x1, $0x1;
	s17 =	sand.u32 $0x10000, s17;
	[sflag:s4] =	ssyncset.done $0x0  }
0x31: {  	s18 =	sand.u32 $0x4000, s18;
	s19 =	sshrl.u32 s17, $0x2;
	[sflag:s4] =	ssyncadd.s32 $0xFFFFC000  }
0x32: {  	s17 =	sor.u32 $0x8000, s18;
	s18 =	sadd.s32 $0x8040, s19;
	s19 =	sadd.s32 $0x40, s19  }
.LBB1_3:
0x33: {  	s21 =	sshll.u32 s20, $0xD  }
0x34: {  	s21 =	sand.u32 $0x3FFFE000, s21  }
0x35: {  	s21 =	sadd.s32 s21, s19  }
0x36: {  	v0 =	vmov s21;
	_ =	sdelay $0x4  }
0x37: {  	v6 =	vld.idx.msk [tilespmem:v0+s23+$0x30 ss:$0x1], $0xffff  }
0x38: {  	v7 =	vld.idx.msk [tilespmem:v0+s23+$0xFFFFFFC0 ss:$0x1], $0xffff  }
0x39: {  	v1 =	vld.idx.msk [tilespmem:v0+s23+$0xFFFFFFD0 ss:$0x1], $0xffff  }
0x3a: {  	s31 =	sshll.u32 s20, $0x7;
	v2 =	vld.idx.msk [tilespmem:v0+s23+$0xFFFFFFE0 ss:$0x1], $0xffff  }
0x3b: {  	s20 =	sand.u32 $0x3FFFFF80, s31;
	v3 =	vld.idx.msk [tilespmem:v0+s23+$0xFFFFFFF0 ss:$0x1], $0xffff  }
0x3c: {  	s20 =	sadd.s32 s20, s18;
	v4 =	vld.idx.msk [tilespmem:v0+s23+$0x0 ss:$0x1], $0xffff  }
0x3d: {  	v5 =	vld.idx.msk [tilespmem:v0+s23+$0x10 ss:$0x1], $0xffff;
	[tilespmem:s20+$0x30] =	vst v6  }
0x3e: {  	p0 =	por p1, p1;
	s22 =	simm.s32 $0x400;
	s21 =	simm.s32 $0x80;
	[tilespmem:s20+$0xFFFFFFC0] =	vst v7;
	v6 =	vld.idx.msk [tilespmem:v0+s23+$0x20 ss:$0x1], $0xffff  }
.LBB1_4:
0x3f: {  	p1 =	sne.s32 s22, $0x7E00;
	v7 =	vld.idx.msk [tilespmem:v0+s21+$0x30 ss:$0x1], $0xffff;
	[tilespmem:s20+$0xFFFFFFD0] =	vst v1  }
0x40: {  	v8 =	vld.idx.msk [tilespmem:v0+s21+$0xFFFFFFC0 ss:$0x1], $0xffff;
	[tilespmem:s20+$0xFFFFFFE0] =	vst v2  }
0x41: {  	v1 =	vld.idx.msk [tilespmem:v0+s21+$0xFFFFFFD0 ss:$0x1], $0xffff;
	[tilespmem:s20+$0xFFFFFFF0] =	vst v3  }
.Ltmp3:
0x42: {  	v2 =	vld.idx.msk [tilespmem:v0+s21+$0xFFFFFFE0 ss:$0x1], $0xffff;
	[tilespmem:s20+$0x0] =	vst v4;
	(pc) =	sbr.rel @p1 .LBB1_4-.Ltmp3, $4  }
0x43: {  	v3 =	vld.idx.msk [tilespmem:v0+s21+$0xFFFFFFF0 ss:$0x1], $0xffff;
	[tilespmem:s20+$0x10] =	vst v5  }
0x44: {  	v4 =	vld.idx.msk [tilespmem:v0+s21+$0x0 ss:$0x1], $0xffff;
	[tilespmem:s20+$0x20] =	vst v6;
	s20 =	sadd.s32 $0x100, s20  }
0x45: {  	v5 =	vld.idx.msk [tilespmem:v0+s21+$0x10 ss:$0x1], $0xffff;
	[tilespmem:s20+$0x30] =	vst v7  }
0x46: {  	[tilespmem:s20+$0xFFFFFFC0] =	vst v8;
	v6 =	vld.idx.msk [tilespmem:v0+s21+$0x20 ss:$0x1], $0xffff;
	s21 =	sshra.s32 s22, $0x2;
	s22 =	sadd.s32 $0x200, s22  }
0x47: {  	_ =	sdelay $0x2  }
0x48: {  	[tilespmem:s20+$0xFFFFFFD0] =	vst v1  }
0x49: {  	v56 =	vld.idx.msk [tilespmem:v0+s21+$0x30 ss:$0x1], $0xffff;
	[tilespmem:s20+$0xFFFFFFE0] =	vst v2  }
0x4a: {  	v57 =	vld.idx.msk [tilespmem:v0+s21+$0xFFFFFFC0 ss:$0x1], $0xffff;
	[tilespmem:s20+$0xFFFFFFF0] =	vst v3  }
0x4b: {  	v58 =	vld.idx.msk [tilespmem:v0+s21+$0xFFFFFFD0 ss:$0x1], $0xffff;
	[tilespmem:s20+$0x0] =	vst v4  }
0x4c: {  	v59 =	vld.idx.msk [tilespmem:v0+s21+$0xFFFFFFE0 ss:$0x1], $0xffff;
	[tilespmem:s20+$0x10] =	vst v5  }
0x4d: {  	v60 =	vld.idx.msk [tilespmem:v0+s21+$0xFFFFFFF0 ss:$0x1], $0xffff;
	s31 =	sadd.s32 $0x100, s20;
	[tilespmem:s20+$0x20] =	vst v6  }
0x4e: {  	v61 =	vld.idx.msk [tilespmem:v0+s21+$0x0 ss:$0x1], $0xffff;
	[tilespmem:s31+$0x30] =	vst v56  }
0x4f: {  	v62 =	vld.idx.msk [tilespmem:v0+s21+$0x10 ss:$0x1], $0xffff;
	[tilespmem:s31+$0xFFFFFFC0] =	vst v57  }
0x50: {  	v63 =	vld.idx.msk [tilespmem:v0+s21+$0x20 ss:$0x1], $0xffff;
	[tilespmem:s31+$0xFFFFFFD0] =	vst v58  }
.Ltmp4:
0x51: {  	[tilespmem:s31+$0xFFFFFFE0] =	vst v59;
	(pc) =	sbr.rel @p0 .LBB1_3-.Ltmp4, $4  }
0x52: {  	[tilespmem:s31+$0xFFFFFFF0] =	vst v60  }
0x53: {  	[tilespmem:s31+$0x0] =	vst v61  }
0x54: {  	[tilespmem:s31+$0x10] =	vst v62  }
0x55: {  	p1 =	por $0x0, $0x0;
	s20 =	simm.s32 $0x1;
	[tilespmem:s31+$0x20] =	vst v63  }
0x56: {  	s18 =	sshrl.u32 s16, $0x3  }
0x57: {  	s19 =	sshll.u32 s15, $0x3;
	s18 =	smul.u32 $0x1400, s18  }
0x58: {  	s25 =	sshll.u32 s16, $0x7;
	s19 =	sand.u32 $0xFFFFFC00, s19  }
0x59: {  	s16 =	sand.u32 $0x380, s25;
	s18 =	sadd.s32 s18, s19  }
0x5a: {  	s16 =	sor.u32 s16, s18  }
0x5b: {  	s18 =	smulhi.u32 $0xCCCCCCCD, s16;
	_ =	sdelay $0x1  }
0x5c: {  	s26 =	sand.u32 $0x7F, s15;
	s18 =	sshrl.u32 s18, $0x9  }
0x5d: {  	s15 =	sor.u32 s26, s16;
	s27 =	smulhi.u32 $0xB60B61, s18  }
0x5e: {  	s16 =	smulhi.u32 $0xCCCCCCCD, s15  }
0x5f: {  	s19 =	smul.u32 $0x168, s27  }
0x60: {  	s14 =	smul.u32 $0x7080, s14;
	s16 =	sshrl.u32 s16, $0x9  }
0x61: {  	s16 =	smul.u32 $0x280, s16;
	s18 =	ssub.s32 s18, s19  }
0x62: {  	s28 =	smul.u32 $0x50, s18  }
.Ltmp5:
0x63: {  	s15 =	ssub.s32 s15, s16;
	(pc) =	sbr.rel .LBB1_7-.Ltmp5, $4  }
0x64: {  	s14 =	sadd.s32 s6, s14;
	s29 =	sand.u32 $0x7, s15  }
0x65: {  	s15 =	sshrl.u32 s15, $0x3;
	s30 =	sshll.u32 s29, $0x12;
	s14 =	sadd.s32 s28, s14  }
0x66: {  	s31 =	sor.u32 $0x100, s30;
	s14 =	sadd.s32 s15, s14  }
0x67: {  	[hbm4b:s14+s31] =	stream.strided.scatter [tilespmem:s17], [sflag:$0x2], $0x4000, s8, s31, $0x38;
	[tilespmem:$0x10000] =	vst v63  }
.LBB1_8:
0x68: {  	_ =	sfence.sel $0x180000  }
0x69: {  	s2 =	simm.s32 $0x1;
	[bflag:$0x0] =	sbarrier.arrive $0xFFFF  }
0x6a: {  	s31 =	simm.s32 $0x2;
	[sflag:s2] =	ssyncpa.u1 $0x1  }
0x6b: {  	[sflag:s31] =	ssyncpa.u1 $0x1  }
0x6c: {  	p0 =	sne.s32 s0, $0x0;
	_ =	strace $0x9000004A  }
0x6d: {  	s0 =	sadd.s32 @!p0 $0x100000, s1;
	[bflag:$0x2] =	sbarrier.arrive $0xFFFF  }
0x6e: {  	[sflag:s0] =	ssyncadd.tile.s32 @!p0 $0x1;
	_ =	shalt  }
.Lfunc_end1:
_tile_overlayer_lowered:
.L_overlay_start_2:
0x6f: {  	(tag) =	ssettag $0x2  }
0x70: {  	s0 =	rddreg [dreg:$0x0];
	s2 =	stileid.u32  }
0x71: {  	s1 =	rddreg [dreg:$0x1];
	p0 =	sne.s32 s2, $0x0  }
0x72: {  	s3 =	rddreg [dreg:$0x2];
	[bflag:$0x3] =	sbarrier.arrive $0xFFFF;
	s2 =	simm.s32 @!p0 $0x1C01  }
0x73: {  	[timem:s3], [sflag:s2] =	dma.local @!p0 [hbm:s0], s1  }
0x74: {  	s0 =	simm.s32 @!p0 $0x1  }
0x75: {  	_ =	swait.ge @!p0 [sflag:s0], s1  }
0x76: {  	s1 =	ssub.s32 @!p0 $0x0, s1;
	[sflag:s0] =	ssyncset.done @!p0 $0x0  }
0x77: {  	[sflag:s0] =	ssyncadd.s32 @!p0 s1  }
0x78: {  	[bflag:$0x3] =	sbarrier.arrive $0xFFFF  }
0x79: {  	_ =	shalt  }

// kernel: sparse-core-data-format-call.cloned.1.call-start
scs
called_computation_lowered:
.L_overlay_start_0:
0x0: {  	s2 =	sld [smem:$0x3FD9]  }
0x1: {  	s3 =	sld [smem:$0x3FFE];
	_ =	sdelay $0x1  }
0x2: {  	s1 =	srdreg.scid  }
0x3: {  	s0 =	sand.u32 $0x1, s1  }
0x4: {  	s18 =	sshll.u32 s0, $0xA;
	s2 =	sadd.s32 s3, s2  }
0x5: {  	s2 =	sadd.s32 s2, s18  }
0x6: {  	[smem:$0x3FC5] =	sst s2  }
0x7: {  	_ = 	snop  }
0x8: {  	s2 =	sld [smem:$0x3FD0];
	(tm) =	ssettm $0x1  }
0x9: {  	s19 =	sld [smem:$0x3FFB];
	_ =	sdelay $0x3  }
0xa: {  	_ =	strace s19  }
0xb: {  	s3 =	sld [smem:$0x3FFC];
	_ =	sdelay $0x3  }
0xc: {  	_ =	strace s3  }
0xd: {  	s3 =	sld [smem:$0x3FFD];
	_ =	sdelay $0x3  }
0xe: {  	_ =	strace s3  }
0xf: {  	_ =	strace $0x8FFFFFFF  }
0x10: {  	s20 =	sld [smem:$0x3FDB];
	_ =	sdelay $0x1  }
0x11: {  	s4 =	simm.s32 $_scs_section_size  }
0x12: {  	s5 =	simm.s32 $_size__tile_overlayer_lowered;
	s6 =	simm.s32 $_tile_overlayer_lowered  }
0x13: {  	s23 =	simm.s32 $0x1BFF;
	s22 =	sshll.u32 s6, $0x1;
	s3 =	sadd.s32 s4, s20  }
0x14: {  	s7 =	simm.s32 $0x0;
	s21 =	sshll.u32 s5, $0x1;
	s5 =	sadd.s32 s22, s3  }
0x15: {  	[timem:s7], [sflag:s23] =	dma.local [hbm:s5], s21  }
0x16: {  	_ =	swait.ge [sflag:s23], s21  }
0x17: {  	s4 =	ssub.s32 $0x0, s21;
	[sflag:s23] =	ssyncset.done $0x0  }
0x18: {  	[sflag:s23] =	ssyncadd.s32 s4;
	_ =	sdelay $0x1  }
0x19: {  	s24 =	simm.s32 $0x1B8B  }
0x1a: {  	_ =	swait.ge [sflag:s24], $0x1  }
0x1b: {  	[sflag:s24] =	ssyncset.done $0x0  }
0x1c: {  	s26 =	simm.s32 $0x1B8E;
	s25 =	sld [smem:$0x3FFE];
	[sflag:s24] =	ssyncadd.s32 $0xFFFFFFFF  }
0x1d: {  	s27 =	simm.s32 $execute0_lowered;
	[smem:$0x3FD2] =	sst s26  }
0x1e: {  	s5 =	sshll.u32 s27, $0x1;
	_ =	strace $0x8000004C;
	[dreg:$0x1] =	wrdreg $0xFFFFFFFF  }
0x1f: {  	s28 =	simm.s32 $_size_execute0_lowered;
	s3 =	sadd.s32 s3, s5;
	[dreg:$0x0] =	wrdreg $0x0  }
0x20: {  	s5 =	sshll.u32 s28, $0x1;
	[dreg:$0x2] =	wrdreg s3  }
0x21: {  	[dreg:$0x3] =	wrdreg s5  }
0x22: {  	[dreg:$0x4] =	wrdreg $0xC0  }
0x23: {  	_ =	task [dreg:s7], $0x5FFFF  }
0x24: {  	[dreg:$0x1] =	wrdreg $0xFFFFFFFF  }
0x25: {  	[dreg:$0x0] =	wrdreg $0x60  }
0x26: {  	[dreg:$0x2] =	wrdreg s25  }
0x27: {  	[dreg:$0x3] =	wrdreg s2  }
0x28: {  	[dreg:$0x4] =	wrdreg $0x9  }
0x29: {  	_ =	task.clear_ibuf [dreg:s7], $0x5FFFF;
	_ =	strace $0x9000004C  }
0x2a: {  	s29 =	simm.s32 $0x9;
	_ =	strace $0x8000004E  }
0x2b: {  	_ =	swait.ge [sflag:s29], $0x1  }
0x2c: {  	[sflag:s29] =	ssyncadd.s32 $0xFFFFFFFF  }
0x2d: {  	_ =	strace $0x9000004E  }
0x2e: {  	_ =	sfence  }
0x2f: {  	s30 =	sld [smem:$0x0];
	_ =	sdelay $0x2  }
0x30: {  	s31 =	sshll.u32 s1, $0xD;
	s1 =	sshrl.u32 s1, $0x2  }
0x31: {  	s3 =	sand.u32 $0x4000, s31;
	s1 =	sadd.s32 s1, s30  }
0x32: {  	s0 =	sor.u32 s3, s0;
	s1 =	sshll.u32 s1, $0x11  }
0x33: {  	s0 =	sor.u32 s1, s0  }
0x34: {  	s0 =	sadd.s32 $0x8F2B, s0  }
0x35: {  	[sflag:s0] =	ssyncadd.remote.s32 $0x1  }
0x36: {  	_ =	sfence.sel $0xFFFF  }
0x37: {  	[dreg:$0x0] =	wrdreg $0xFFFFFFFF;
	(pc) =	sbr.abs _section_cstart, $3  }
0x38: {  	[dreg:$0x1] =	wrdreg $0xFFFFFFFF  }
0x39: {  	_ =	task.clear_ibuf [dreg:s7], $0x2FFFF;
	_ =	strace $0x9FFFFFFF  }
0x3a: {  	(tm) =	ssettm $0x7FFFFFFF  }
0x3b: {  	_ =	shalt  }
tec
execute0_lowered:
.L_overlay_start_1:
0x0: {  	(tag) =	ssettag $0x1  }
0x1: {  	s3 =	rddreg [dreg:$0x0]  }
0x2: {  	s2 =	rddreg [dreg:$0x1]  }
0x3: {  	s0 =	rddreg [dreg:$0x2]  }
0x4: {  	s1 =	stileid.u32;
	_ =	strace $0x8000004D;
	s6 =	srdreg.scid  }
0x5: {  	s31 =	simm.s32 $0x2;
	s21 =	simm.s32 $0x0;
	s11 =	simm.s32 $0x1000  }
0x6: {  	s12 =	simm.s32 $0x0;
	s20 =	simm.s32 $0x0;
	s22 =	simm.s32 $0x0  }
0x7: {  	s23 =	simm.s32 $0x0;
	s13 =	simm.s32 $0x0;
	s14 =	simm.s32 $0x0  }
0x8: {  	s15 =	simm.s32 $0x0;
	s17 =	simm.s32 $0x0;
	s19 =	simm.s32 $0x0  }
0x9: {  	s5 =	sshll.u32 s1, $0x1;
	s3 =	sadd.s32 $0x1C3600, s3;
	s4 =	sand.u32 $0x1, s1  }
0xa: {  	s10 =	sshll.u32 s1, $0x7;
	s5 =	sand.u32 $0xC, s5;
	s7 =	ssub.s32 $0x2, s4  }
0xb: {  	s29 =	sshll.u32 s6, $0xB;
	s8 =	ssub.s32 $0x1C0, s5;
	s9 =	sshrl.u32 s7, $0x1  }
.Ltmp0:
0xc: {  	s7 =	sand.u32 $0x1, s7;
	s8 =	sshrl.u32 s8, $0x4;
	(pc) =	sbr.rel .LBB1_1-.Ltmp0, $4  }
0xd: {  	s6 =	simm.s32 $0x1;
	s7 =	sadd.s32 s7, s9;
	s8 =	sadd.s32 $0x1, s8  }
0xe: {  	s30 =	sor.u32 s10, s29;
	[sflag:s6] =	ssyncpa.u1 $0x0;
	s7 =	smul.u32 s7, s8  }
0xf: {  	s10 =	simm.s32 $0x400;
	s18 =	smov.u32 s4;
	[sflag:s31] =	ssyncpa.u1 $0x0  }
0x10: {  	s16 =	smov.u32 s5;
	s8 =	sand.u32 $0xC00, s30;
	s9 =	sadd.s32 $0x1, s7  }
.LBB1_7:
0x11: {  	p0 =	slt.u32 s19, $0x2;
	s23 =	smov.u32 s22  }
0x12: {  	p1 =	sgt.s32 @!p0 s22, $0x1;
	s24 =	sshra.s32 @!p0 s22, $0x1F;
	s25 =	sshra.s32 @!p0 s21, $0x1F  }
0x13: {  	p1 =	por !p1, p0;
	s22 =	sand.u32 @!p0 s24, s22;
	s24 =	smov.u32 s21  }
0x14: {  	s23 =	simm.s32 @p1 $0x1;
	p1 =	sgt.s32 @!p0 s21, $0x1BE;
	s22 =	sxor.u32 @!p0 $0xFFFFFFFF, s22  }
0x15: {  	s21 =	sand.u32 @!p0 s25, s21;
	p1 =	por !p1, p0;
	s22 =	sadd.s32 @!p0 s22, s23  }
0x16: {  	s23 =	ssub.s32 @!p0 $0x0, s20;
	s24 =	simm.s32 @p1 $0x1BE;
	p1 =	sgt.s32 @!p0 s22, $0x0  }
0x17: {  	s20 =	smin.u32 @!p0 s20, s23;
	s22 =	sshll.u32 @!p0 s22, $0x7;
	s21 =	ssub.s32 @!p0 s24, s21  }
0x18: {  	p2 =	sgt.s32 @!p0 s20, $0x1F;
	s20 =	ssub.s32 @!p0 $0x20, s20;
	s22 =	ssub.s32 @!p0 $0x80, s22  }
0x19: {  	p1 =	por !p1, p0;
	s24 =	sadd.s32 @!p0 $0xFFFFFE42, s21;
	p2 =	por !p2, p0  }
0x1a: {  	s22 =	simm.s32 @!p1 $0x0;
	s20 =	simm.s32 @!p2 $0x0;
	p2 =	sgt.s32 @!p0 s24, $0x3  }
0x1b: {  	s21 =	ssub.s32 @!p0 $0x1C2, s21;
	p1 =	por !p2, p0;
	s20 =	smul.u32 @!p0 s20, s22  }
0x1c: {  	s25 =	smov.u32 s17;
	s24 =	sadd.s32 $0x10, s16;
	s21 =	simm.s32 @!p1 $0x0  }
0x1d: {  	p1 =	sgt.s32 s24, $0x1C1;
	s20 =	smul.u32 @!p0 s21, s20;
	s21 =	sadd.s32 $0x20, s17  }
0x1e: {  	s26 =	smov.u32 s18;
	s25 =	smov.u32 @p1 s21  }
0x1f: {  	s12 =	sadd.s32 $0x4000, s12;
	s21 =	sadd.s32 $0x2, s18;
	p2 =	sgt.s32 s25, $0x1F  }
0x20: {  	s23 =	simm.s32 @!p0 $0x2;
	s22 =	smov.u32 s15;
	s26 =	smov.u32 @p2 s21  }
0x21: {  	s15 =	smov.u32 s18;
	s24 =	smov.u32 @p1 s5;
	p1 =	sgt.s32 s26, $0x1  }
0x22: {  	s20 =	sand.u32 @!p0 $0x3FFFFF80, s20;
	s26 =	smov.u32 @p1 s4;
	p1 =	sne.s32 s19, s9  }
.Ltmp1:
0x23: {  	_ =	swait.ge @!p0 [sflag:s23], s20;
	s27 =	ssub.s32 @!p0 $0x0, s20;
	(pc) =	sbr.rel @!p1 .LBB1_8-.Ltmp1, $4  }
0x24: {  	s25 =	simm.s32 @p2 $0x0;
	s21 =	smov.u32 s13;
	s20 =	smov.u32 s14  }
0x25: {  	s13 =	smov.u32 s16;
	s14 =	smov.u32 s17;
	s16 =	smov.u32 s24  }
0x26: {  	[sflag:s23] =	ssyncset.done @!p0 $0x0;
	s17 =	smov.u32 s25;
	s19 =	sadd.s32 $0x1, s19  }
0x27: {  	[sflag:s23] =	ssyncadd.s32 @!p0 s27;
	s23 =	smov.u32 s8;
	s18 =	smov.u32 s26  }
.LBB1_1:
0x28: {  	p0 =	sge.u32 s19, s7  }
0x29: {  	s24 =	sshll.u32 @!p0 s16, $0x9;
	s25 =	sshll.u32 @!p0 s16, $0x7  }
0x2a: {  	s24 =	sand.u32 @!p0 $0xFFFFF000, s24;
	s25 =	sand.u32 @!p0 $0x200, s25  }
0x2b: {  	s24 =	sor.u32 @!p0 s25, s24  }
0x2c: {  	s24 =	sor.u32 @!p0 s8, s24  }
0x2d: {  	s24 =	sshrl.u32 @!p0 s24, $0x9  }
0x2e: {  	s25 =	smulhi.u32 @!p0 $0x8FB824, s24  }
0x2f: {  	s26 =	smul.u32 @!p0 $0xE4000, s18  }
0x30: {  	s25 =	smul.u32 @!p0 $0x1C8, s25  }
0x31: {  	s31 =	sadd.s32 $0xFFFFFFFF, s19;
	s27 =	sxor.u32 @!p0 $0xFFFFFFFF, s19;
	s28 =	smul.u32 @!p0 $0x7200, s17  }
0x32: {  	s26 =	sadd.s32 @!p0 s3, s26;
	s24 =	ssub.s32 @!p0 s24, s25;
	s25 =	sshll.u32 @!p0 s16, $0x4  }
0x33: {  	s27 =	sshll.u32 @!p0 s27, $0xE;
	s26 =	sadd.s32 @!p0 s28, s26;
	s25 =	sand.u32 @!p0 $0x30, s25  }
0x34: {  	s27 =	sand.u32 @!p0 $0x4000, s27;
	s24 =	sshll.u32 @!p0 s24, $0x6;
	s25 =	sadd.s32 @!p0 s25, s26  }
0x35: {  	s26 =	simm.s32 @!p0 $0x39000;
	s24 =	sadd.s32 @!p0 s24, s25;
	s25 =	simm.s32 @!p0 $0x200  }
0x36: {  	[tilespmem:s27], [sflag:$0x1] =	stream.strided.gather @!p0 [hbm4b:s24+s25], $0x4000, s26, s25, $0x38;
	[tilespmem:$0x10000] =	vst v63  }
0x37: {  	p0 =	sge.u32 s31, s7  }
.Ltmp2:
0x38: {  	_ = 	snop;
	(pc) =	sbr.rel @p0 .LBB1_7-.Ltmp2, $1  }
0x39: {  	_ =	sdelay $0x3  }
0x3a: {  	s24 =	sand.u32 $0x4000, s12  }
0x3b: {  	_ =	swait.ge [sflag:s6], $0x4000;
	s27 =	sshll.u32 s19, $0xE;
	s25 =	sor.u32 $0x8040, s24  }
0x3c: {  	s26 =	sor.u32 $0x40, s24;
	[sflag:s6] =	ssyncset.done $0x0;
	s31 =	sand.u32 $0x4000, s27  }
0x3d: {  	s27 =	simm.s32 $0x0;
	[sflag:s6] =	ssyncadd.s32 $0xFFFFC000;
	s24 =	sor.u32 $0x8000, s31  }
.LBB1_3:
0x3e: {  	v0 =	vmov s26;
	_ =	sdelay $0x3  }
0x3f: {  	s29 =	simm.s32 $0x0  }
0x40: {  	v6 =	vld.idx.msk [tilespmem:v0+s29+$0x30 ss:$0x1], $0xffff  }
0x41: {  	v7 =	vld.idx.msk [tilespmem:v0+s29+$0xFFFFFFC0 ss:$0x1], $0xffff  }
0x42: {  	v5 =	vld.idx.msk [tilespmem:v0+s29+$0xFFFFFFD0 ss:$0x1], $0xffff  }
0x43: {  	v4 =	vld.idx.msk [tilespmem:v0+s29+$0xFFFFFFE0 ss:$0x1], $0xffff  }
0x44: {  	v3 =	vld.idx.msk [tilespmem:v0+s29+$0xFFFFFFF0 ss:$0x1], $0xffff  }
0x45: {  	v1 =	vld.idx.msk [tilespmem:v0+s29+$0x0 ss:$0x1], $0xffff  }
0x46: {  	v2 =	vld.idx.msk [tilespmem:v0+s29+$0x10 ss:$0x1], $0xffff;
	[tilespmem:s25+$0x30] =	vst v6  }
0x47: {  	s28 =	simm.s32 $0x80;
	s30 =	simm.s32 $0x400;
	[tilespmem:s25+$0xFFFFFFC0] =	vst v7;
	v6 =	vld.idx.msk [tilespmem:v0+s29+$0x20 ss:$0x1], $0xffff;
	s29 =	smov.u32 s25  }
.LBB1_4:
0x48: {  	p0 =	sne.s32 s30, $0x600;
	v7 =	vld.idx.msk [tilespmem:v0+s28+$0x30 ss:$0x1], $0xffff;
	[tilespmem:s29+$0xFFFFFFD0] =	vst v5  }
0x49: {  	v8 =	vld.idx.msk [tilespmem:v0+s28+$0xFFFFFFC0 ss:$0x1], $0xffff;
	[tilespmem:s29+$0xFFFFFFE0] =	vst v4  }
0x4a: {  	v5 =	vld.idx.msk [tilespmem:v0+s28+$0xFFFFFFD0 ss:$0x1], $0xffff;
	[tilespmem:s29+$0xFFFFFFF0] =	vst v3  }
.Ltmp3:
0x4b: {  	v4 =	vld.idx.msk [tilespmem:v0+s28+$0xFFFFFFE0 ss:$0x1], $0xffff;
	[tilespmem:s29+$0x0] =	vst v1;
	(pc) =	sbr.rel @p0 .LBB1_4-.Ltmp3, $4  }
0x4c: {  	v3 =	vld.idx.msk [tilespmem:v0+s28+$0xFFFFFFF0 ss:$0x1], $0xffff;
	[tilespmem:s29+$0x10] =	vst v2  }
0x4d: {  	v1 =	vld.idx.msk [tilespmem:v0+s28+$0x0 ss:$0x1], $0xffff;
	[tilespmem:s29+$0x20] =	vst v6;
	s29 =	sadd.s32 $0x1000, s29  }
0x4e: {  	v2 =	vld.idx.msk [tilespmem:v0+s28+$0x10 ss:$0x1], $0xffff;
	[tilespmem:s29+$0x30] =	vst v7  }
0x4f: {  	[tilespmem:s29+$0xFFFFFFC0] =	vst v8;
	v6 =	vld.idx.msk [tilespmem:v0+s28+$0x20 ss:$0x1], $0xffff;
	s28 =	sshra.s32 s30, $0x2;
	s30 =	sadd.s32 $0x200, s30  }
0x50: {  	_ =	sdelay $0x2  }
0x51: {  	[tilespmem:s29+$0xFFFFFFD0] =	vst v5  }
0x52: {  	v56 =	vld.idx.msk [tilespmem:v0+s28+$0x30 ss:$0x1], $0xffff;
	[tilespmem:s29+$0xFFFFFFE0] =	vst v4  }
0x53: {  	v57 =	vld.idx.msk [tilespmem:v0+s28+$0xFFFFFFC0 ss:$0x1], $0xffff;
	[tilespmem:s29+$0xFFFFFFF0] =	vst v3  }
0x54: {  	v58 =	vld.idx.msk [tilespmem:v0+s28+$0xFFFFFFD0 ss:$0x1], $0xffff;
	[tilespmem:s29+$0x0] =	vst v1  }
0x55: {  	v59 =	vld.idx.msk [tilespmem:v0+s28+$0xFFFFFFE0 ss:$0x1], $0xffff;
	[tilespmem:s29+$0x10] =	vst v2  }
0x56: {  	v60 =	vld.idx.msk [tilespmem:v0+s28+$0xFFFFFFF0 ss:$0x1], $0xffff;
	s31 =	sadd.s32 $0x1000, s29;
	[tilespmem:s29+$0x20] =	vst v6  }
0x57: {  	v61 =	vld.idx.msk [tilespmem:v0+s28+$0x0 ss:$0x1], $0xffff;
	[tilespmem:s31+$0x30] =	vst v56  }
0x58: {  	v62 =	vld.idx.msk [tilespmem:v0+s28+$0x10 ss:$0x1], $0xffff;
	s27 =	sadd.s32 $0x1, s27;
	[tilespmem:s31+$0xFFFFFFC0] =	vst v57  }
0x59: {  	v63 =	vld.idx.msk [tilespmem:v0+s28+$0x20 ss:$0x1], $0xffff;
	p0 =	sne.s32 s27, $0x20;
	[tilespmem:s31+$0xFFFFFFD0] =	vst v58  }
.Ltmp4:
0x5a: {  	[tilespmem:s31+$0xFFFFFFE0] =	vst v59;
	(pc) =	sbr.rel @p0 .LBB1_3-.Ltmp4, $4  }
0x5b: {  	[tilespmem:s31+$0xFFFFFFF0] =	vst v60  }
0x5c: {  	[tilespmem:s31+$0x0] =	vst v61  }
0x5d: {  	[tilespmem:s31+$0x10] =	vst v62  }
0x5e: {  	s25 =	sadd.s32 $0x80, s25;
	s26 =	sadd.s32 $0x200, s26;
	[tilespmem:s31+$0x20] =	vst v63  }
0x5f: {  	s25 =	sshll.u32 s14, $0x9;
	s30 =	sshll.u32 s14, $0x7  }
0x60: {  	p0 =	sgt.s32 s15, $0x1;
	s26 =	smov.u32 s15;
	s27 =	sshra.s32 s15, $0x1F  }
0x61: {  	s28 =	smov.u32 s13;
	s29 =	sshra.s32 s13, $0x1F;
	s25 =	sand.u32 $0x3000, s25  }
0x62: {  	s26 =	simm.s32 @!p0 $0x1;
	s27 =	sand.u32 s27, s15;
	p0 =	sgt.s32 s13, $0x1BE  }
0x63: {  	s29 =	sand.u32 s29, s13;
	s23 =	sor.u32 s23, s25;
	s25 =	sand.u32 $0x200, s30  }
0x64: {  	s27 =	sxor.u32 $0xFFFFFFFF, s27;
	s28 =	simm.s32 @!p0 $0x1BE;
	s30 =	ssub.s32 $0x0, s14  }
0x65: {  	s26 =	sadd.s32 s27, s26;
	s31 =	ssub.s32 s28, s29;
	s28 =	smin.u32 s14, s30  }
0x66: {  	s23 =	sor.u32 s25, s23;
	p0 =	sgt.s32 s26, $0x0;
	s29 =	sadd.s32 $0xFFFFFE42, s31  }
0x67: {  	p1 =	sgt.s32 s28, $0x1F;
	s28 =	ssub.s32 $0x20, s28;
	s26 =	sshll.u32 s26, $0x7  }
0x68: {  	s27 =	ssub.s32 $0x1C2, s31;
	s28 =	simm.s32 @p1 $0x0;
	s26 =	ssub.s32 $0x80, s26  }
0x69: {  	p1 =	sgt.s32 s29, $0x3;
	s29 =	smul.u32 $0xE1000, s15;
	s26 =	simm.s32 @p0 $0x0  }
0x6a: {  	s30 =	sshll.u32 s14, $0x4;
	s27 =	simm.s32 @p1 $0x0;
	s31 =	smul.u32 s28, s26  }
.Ltmp5:
0x6b: {  	s26 =	sshll.u32 s13, $0xB;
	s29 =	sadd.s32 s2, s29;
	(pc) =	sbr.rel .LBB1_7-.Ltmp5, $4  }
0x6c: {  	s26 =	sadd.s32 s26, s29;
	s25 =	smul.u32 s27, s31;
	s31 =	sand.u32 $0x30, s30  }
0x6d: {  	s23 =	sshrl.u32 s23, $0x3;
	s26 =	sadd.s32 s31, s26  }
0x6e: {  	s25 =	sand.u32 $0x3FFFFF80, s25;
	s23 =	sadd.s32 s23, s26  }
0x6f: {  	[hbm4b:s23+s10] =	stream.strided.scatter [tilespmem:s24], [sflag:$0x2], s25, s11, s10, $0x38;
	[tilespmem:$0x10000] =	vst v63  }
.LBB1_8:
0x70: {  	_ =	sfence.sel $0x180000  }
0x71: {  	s2 =	simm.s32 $0x1;
	[bflag:$0x0] =	sbarrier.arrive $0xFFFF  }
0x72: {  	s31 =	simm.s32 $0x2;
	[sflag:s2] =	ssyncpa.u1 $0x1  }
0x73: {  	[sflag:s31] =	ssyncpa.u1 $0x1  }
0x74: {  	p0 =	sne.s32 s1, $0x0;
	_ =	strace $0x9000004D  }
0x75: {  	s0 =	sadd.s32 @!p0 $0x100000, s0;
	[bflag:$0x2] =	sbarrier.arrive $0xFFFF  }
0x76: {  	[sflag:s0] =	ssyncadd.tile.s32 @!p0 $0x1;
	_ =	shalt  }
.Lfunc_end1:
_tile_overlayer_lowered:
.L_overlay_start_2:
0x77: {  	(tag) =	ssettag $0x2  }
0x78: {  	s0 =	rddreg [dreg:$0x0];
	s2 =	stileid.u32  }
0x79: {  	s1 =	rddreg [dreg:$0x1];
	p0 =	sne.s32 s2, $0x0  }
0x7a: {  	s3 =	rddreg [dreg:$0x2];
	[bflag:$0x3] =	sbarrier.arrive $0xFFFF;
	s2 =	simm.s32 @!p0 $0x1C01  }
0x7b: {  	[timem:s3], [sflag:s2] =	dma.local @!p0 [hbm:s0], s1  }
0x7c: {  	s0 =	simm.s32 @!p0 $0x1  }
0x7d: {  	_ =	swait.ge @!p0 [sflag:s0], s1  }
0x7e: {  	s1 =	ssub.s32 @!p0 $0x0, s1;
	[sflag:s0] =	ssyncset.done @!p0 $0x0  }
0x7f: {  	[sflag:s0] =	ssyncadd.s32 @!p0 s1  }
0x80: {  	[bflag:$0x3] =	sbarrier.arrive $0xFFFF  }
0x81: {  	_ =	shalt  }

</sc_bundles>
